<compile_context>
chip_gen: v7x
topology: tpu7x:2x2x1
jax: 0.10.2.dev20260603
libtpu: 0.0.44.dev20260713+nightly
codegen_flags: <defaults>
</compile_context>

<pallas_src>
import functools

import jax
import jax.numpy as jnp
from jax import lax
from jax.experimental import pallas as pl
from jax.experimental.pallas import tpu as pltpu
from jax.experimental.pallas import tpu_sc as plsc

N = 10000
IN_CH = 128
HEADS = 4
OUT_CH = 32
FEAT = HEADS * OUT_CH
NEG_SLOPE = 0.2

NC = 2
NS = 16
NW = NC * NS
GROUP = 128
ROW_BLK = 1000
N_PAD = N + 16
N_ACC = 10112
ROWS_PER_TILE = N_ACC // NS
INIT_CHUNK = 128


def _lrelu(v):
    return jnp.maximum(v, NEG_SLOPE * v)


def _pre_body(x_ref, wt_ref, ap_ref, h_ref, ts_ref, td_ref, am_ref):
    xb = x_ref[...]
    hb = jnp.dot(xb, wt_ref[...], preferred_element_type=jnp.float32)
    h_ref[...] = hb
    a = jnp.dot(hb, ap_ref[...], preferred_element_type=jnp.float32)
    zpad = jnp.zeros((ROW_BLK, 12), jnp.float32)
    ts_ref[...] = jnp.concatenate([a[:, :HEADS], zpad], axis=1)
    td_ref[...] = jnp.concatenate([a[:, HEADS:], zpad], axis=1)
    col = lax.broadcasted_iota(jnp.int32, (ROW_BLK, 8), 1)
    masked = jnp.where(col < HEADS, a, -1e30)
    am_ref[...] = jnp.max(masked, axis=0, keepdims=True).reshape(1, 1, 8)


def _tc_pre(x, wt, aproj):
    grid = N // ROW_BLK
    return pl.pallas_call(
        _pre_body,
        grid=(grid,),
        in_specs=[
            pl.BlockSpec((ROW_BLK, IN_CH), lambda g: (g, 0)),
            pl.BlockSpec((IN_CH, FEAT), lambda g: (0, 0)),
            pl.BlockSpec((IN_CH, 8), lambda g: (0, 0)),
        ],
        out_specs=[
            pl.BlockSpec((ROW_BLK, FEAT), lambda g: (g, 0)),
            pl.BlockSpec((ROW_BLK, 16), lambda g: (g, 0)),
            pl.BlockSpec((ROW_BLK, 16), lambda g: (g, 0)),
            pl.BlockSpec((1, 1, 8), lambda g: (g, 0, 0)),
        ],
        out_shape=[
            jax.ShapeDtypeStruct((N, FEAT), jnp.float32),
            jax.ShapeDtypeStruct((N, 16), jnp.float32),
            jax.ShapeDtypeStruct((N, 16), jnp.float32),
            jax.ShapeDtypeStruct((grid, 1, 8), jnp.float32),
        ],
    )(x, wt, aproj)


CHAP = 3


def _make_sc_kernel(gpt):
    mesh = plsc.VectorSubcoreMesh(
        core_axis_name="c", subcore_axis_name="s", num_cores=NC, num_subcores=NS
    )

    @functools.partial(
        pl.kernel,
        out_type=(
            jax.ShapeDtypeStruct((NC, N_ACC, FEAT), jnp.float32),
            jax.ShapeDtypeStruct((NC, N_ACC, 16), jnp.float32),
        ),
        mesh=mesh,
        compiler_params=pltpu.CompilerParams(use_tc_tiling_on_sc=False),
        scratch_types=[
            pltpu.VMEM((CHAP, GROUP), jnp.int32),
            pltpu.VMEM((CHAP, GROUP), jnp.int32),
            pltpu.VMEM((GROUP, 16), jnp.float32),
            pltpu.VMEM((GROUP, 16), jnp.float32),
            pltpu.VMEM((GROUP, 16), jnp.float32),
            pltpu.VMEM((2, GROUP, FEAT), jnp.float32),
            pltpu.VMEM((2, GROUP), jnp.int32),
            pltpu.VMEM((16,), jnp.float32),
            pltpu.VMEM_SHARED((N_ACC, FEAT), jnp.float32),
            pltpu.VMEM_SHARED((N_ACC, 16), jnp.float32),
            pltpu.SemaphoreType.DMA,
            pltpu.SemaphoreType.DMA,
            pltpu.SemaphoreType.DMA((2,)),
            pltpu.SemaphoreType.DMA((2,)),
        ],
    )
    def edge_kernel(src2d, dst2d, tab_s, tab_d, h_tab, maxs_in,
                    acc_out, s_out,
                    sidx, didx, abs_b, abd_b, alpha_b, h_b, didx_sc, ms_b,
                    acc_sh, s_sh, sem1, sem2, sem_hg, sem_hsc):
        cid = lax.axis_index("c")
        sid = lax.axis_index("s")
        wid = sid * NC + cid

        zero16 = jnp.zeros((16,), jnp.float32)

        def zrow(i, _):
            for jj in range(FEAT // 16):
                h_b[0, i, pl.ds(jj * 16, 16)] = zero16
            alpha_b[i, :] = zero16
            return 0

        lax.fori_loop(0, INIT_CHUNK, zrow, 0)
        pltpu.sync_copy(maxs_in, ms_b)

        r0 = sid * ROWS_PER_TILE
        for k in range(4):
            sl = pl.ds(r0 + k * INIT_CHUNK, INIT_CHUNK)
            pltpu.sync_copy(h_b.at[0, pl.ds(0, INIT_CHUNK)], acc_sh.at[sl])
            pltpu.sync_copy(alpha_b.at[pl.ds(0, INIT_CHUNK)], s_sh.at[sl])
        sl = pl.ds(r0 + 4 * INIT_CHUNK, 120)
        pltpu.sync_copy(h_b.at[0, pl.ds(0, 120)], acc_sh.at[sl])
        pltpu.sync_copy(alpha_b.at[pl.ds(0, 120)], s_sh.at[sl])
        plsc.subcore_barrier()

        msv = ms_b[...]
        lane = lax.iota(jnp.int32, 16)

        def chap_body(cix, _):
            rrow = wid * gpt + cix * CHAP
            pltpu.sync_copy(src2d.at[pl.ds(rrow, CHAP)], sidx)
            pltpu.sync_copy(dst2d.at[pl.ds(rrow, CHAP)], didx)

            def group_body(jj, _):
                gg = cix * CHAP + jj
                p = lax.rem(gg, 2)
                sg = sidx.at[jj]
                dg = didx.at[jj]
                hslot = h_b.at[p]

                @pl.when(gg >= 2)
                def _():
                    pltpu.make_async_copy(hslot, acc_sh.at[didx_sc.at[p]],
                                          sem_hsc.at[p]).wait()

                cp_s = pltpu.async_copy(tab_s.at[sg], abs_b, sem1)
                cp_d = pltpu.async_copy(tab_d.at[dg], abd_b, sem2)
                cp_h = pltpu.async_copy(h_tab.at[sg], hslot, sem_hg.at[p])
                cp_s.wait()
                cp_d.wait()

                def alpha_row(e, _):
                    rs = abs_b[e, :]
                    rd = abd_b[e, :]
                    el = _lrelu(rs + rd)
                    cc = _lrelu(rd + msv)
                    al = jnp.exp(el - cc)
                    al = jnp.where(lane < HEADS, al, 0.0)
                    alpha_b[e, :] = al
                    return 0

                lax.fori_loop(0, GROUP, alpha_row, 0)
                cp_h.wait()


                def scale_row(e, _):
                    al = alpha_b[e, :]
                    for hh in range(HEADS):
                        av = al[hh]
                        for lb in range(OUT_CH // 16):
                            sl = pl.ds(hh * OUT_CH + lb * 16, 16)
                            h_b[p, e, sl] = h_b[p, e, sl] * av
                    return 0

                lax.fori_loop(0, GROUP, scale_row, 0)

                for k16 in range(GROUP // 16):
                    csl = pl.ds(k16 * 16, 16)
                    didx_sc[p, csl] = didx[jj, csl]
                cp_as = pltpu.async_copy(alpha_b, s_sh.at[dg], sem2, add=True)
                pltpu.async_copy(hslot, acc_sh.at[didx_sc.at[p]],
                                 sem_hsc.at[p], add=True)
                cp_as.wait()
                return 0

            lax.fori_loop(0, CHAP, group_body, 0)
            return 0

        lax.fori_loop(0, gpt // CHAP, chap_body, 0)

        for p_ in (0, 1):
            pltpu.make_async_copy(h_b.at[p_], acc_sh.at[didx_sc.at[p_]],
                                  sem_hsc.at[p_]).wait()

        plsc.subcore_barrier()
        pltpu.sync_copy(acc_sh.at[pl.ds(r0, ROWS_PER_TILE)],
                        acc_out.at[cid, pl.ds(r0, ROWS_PER_TILE)])
        pltpu.sync_copy(s_sh.at[pl.ds(r0, ROWS_PER_TILE)],
                        s_out.at[cid, pl.ds(r0, ROWS_PER_TILE)])

    return edge_kernel


def _post_body(acc_ref, s_ref, bias_ref, out_ref):
    acc = acc_ref[0] + acc_ref[1]
    s4 = s_ref[0][:, :HEADS] + s_ref[1][:, :HEADS]
    r4 = 1.0 / jnp.maximum(s4, 1e-10)
    hh = lax.broadcasted_iota(jnp.int32, (HEADS, FEAT), 0)
    col = lax.broadcasted_iota(jnp.int32, (HEADS, FEAT), 1)
    rep = (col // OUT_CH == hh).astype(jnp.float32)
    r128 = jnp.dot(r4, rep, preferred_element_type=jnp.float32)
    out_ref[...] = acc * r128 + bias_ref[...]


def _tc_post(accp, sp, bias2d):
    grid = N // ROW_BLK
    return pl.pallas_call(
        _post_body,
        grid=(grid,),
        in_specs=[
            pl.BlockSpec((NC, ROW_BLK, FEAT), lambda g: (0, g, 0)),
            pl.BlockSpec((NC, ROW_BLK, 16), lambda g: (0, g, 0)),
            pl.BlockSpec((1, FEAT), lambda g: (0, 0)),
        ],
        out_specs=pl.BlockSpec((ROW_BLK, FEAT), lambda g: (g, 0)),
        out_shape=jax.ShapeDtypeStruct((N, FEAT), jnp.float32),
    )(accp, sp, bias2d)


def kernel(x, edge_index, W, att, bias):
    n = x.shape[0]
    e_cnt = edge_index.shape[1]
    total = e_cnt + n

    eye = jnp.eye(HEADS, dtype=jnp.float32)
    a_s = (eye[:, None, :] * att[:, :OUT_CH, None]).reshape(FEAT, HEADS)
    a_d = (eye[:, None, :] * att[:, OUT_CH:, None]).reshape(FEAT, HEADS)
    aproj = jnp.concatenate([a_s, a_d], axis=1)

    h, tab_s, tab_d, am = _tc_pre(x, W.T, aproj)
    maxs = jnp.full((16,), jnp.max(am), jnp.float32)

    tab_d_full = jnp.concatenate(
        [tab_d, jnp.zeros((N_ACC - n, 16), jnp.float32)])

    gpt = -(-total // (NW * GROUP))
    gpt = -(-gpt // CHAP) * CHAP
    t_pad = gpt * NW * GROUP
    n_fill = t_pad - total
    loop = jnp.arange(n, dtype=edge_index.dtype)
    fill = jnp.arange(n_fill, dtype=edge_index.dtype)
    src = jnp.concatenate([edge_index[0], loop, fill % 64])
    dst = jnp.concatenate([edge_index[1], loop, n + (fill % (N_ACC - n))])
    src2d = src.reshape(-1, GROUP)
    dst2d = dst.reshape(-1, GROUP)

    edge_kernel = _make_sc_kernel(gpt)
    accp, sp = edge_kernel(src2d, dst2d, tab_s, tab_d_full, h, maxs)

    return _tc_post(accp, sp, bias.reshape(1, FEAT))

# --- scband reference (transcript-rebuilt; emitter-appended) ---
"""Pipeline reference for scband-gatconv-manual-67095979098991 (READ-ONLY COPY).

The authoritative reference and input builder live on the scoring server;
editing this copy changes nothing except your own understanding.
"""

import jax, jax.numpy as jnp
import numpy as np

N = 10000
E = 320000
IN_CH = 128
HEADS = 4
OUT_CH = 32
NEG_SLOPE = 0.2


def setup_inputs(seed: int = 0) -> dict:
    key = jax.random.key(seed)
    k1, k2, k3, k4 = [jax.random.fold_in(key, i) for i in range(4)]
    x = jax.random.normal(k1, (N, IN_CH), dtype=jnp.float32)
    edge_index = jax.random.randint(k2, (2, E), 0, N, dtype=jnp.int32)
    # Linear weight W: [heads*out_ch, in_ch], xavier-uniform style scale
    limit_w = float(np.sqrt(6.0 / (IN_CH + HEADS * OUT_CH)))
    W = jax.random.uniform(k3, (HEADS * OUT_CH, IN_CH), dtype=jnp.float32, minval=-limit_w, maxval=limit_w)
    limit_a = float(np.sqrt(6.0 / (HEADS + 2 * OUT_CH)))
    att = jax.random.uniform(k4, (HEADS, 2 * OUT_CH), dtype=jnp.float32, minval=-limit_a, maxval=limit_a)
    bias = jnp.zeros((HEADS * OUT_CH,), dtype=jnp.float32)
    return {"x": x, "edge_index": edge_index, "W": W, "att": att, "bias": bias}


def reference(x, edge_index, W, att, bias):
    n = x.shape[0]
    loop = jnp.arange(n, dtype=edge_index.dtype)
    src = jnp.concatenate([edge_index[0], loop])
    dst = jnp.concatenate([edge_index[1], loop])
    h = (x @ W.T).reshape(n, HEADS, OUT_CH)
    h_src = h[src]
    h_dst = h[dst]
    cat = jnp.concatenate([h_src, h_dst], axis=-1)
    e = (cat * att[None, :, :]).sum(axis=-1)
    e = jax.nn.leaky_relu(e, NEG_SLOPE)
    e_max = jax.ops.segment_max(e, dst, num_segments=n)
    alpha = jnp.exp(e - e_max[dst])
    alpha_sum = jax.ops.segment_sum(alpha, dst, num_segments=n)
    alpha = alpha / jnp.maximum(alpha_sum[dst], 1e-10)
    # dropout p=0.0 -> identity
    weighted = h_src * alpha[..., None]
    out = jax.ops.segment_sum(weighted, dst, num_segments=n)
    out = out.reshape(n, HEADS * OUT_CH)
    return out + bias

if __name__ == "__main__":
    import jax
    _d = setup_inputs()
    print(jax.jit(kernel)(*tuple(_d.values())))

</pallas_src>

<mosaic_0001>
#map = affine_map<(d0, d1) -> (0, 0)>
#map1 = affine_map<(d0, d1) -> (0)>
#map2 = affine_map<(d0, d1) -> (0, 0, 0)>
module attributes {stable_mosaic.version = 14 : i64} {
  func.func @edge_kernel(%arg0: i32, %arg1: i32, %arg2: memref<2592x128xi32, #tpu.memory_space<hbm>>, %arg3: memref<2592x128xi32, #tpu.memory_space<hbm>>, %arg4: memref<10000x16xf32, #tpu.memory_space<hbm>>, %arg5: memref<10112x16xf32, #tpu.memory_space<hbm>>, %arg6: memref<10000x128xf32, #tpu.memory_space<hbm>>, %arg7: memref<16xf32, #tpu.memory_space<hbm>>, %arg8: memref<2x10112x128xf32, #tpu.memory_space<hbm>>, %arg9: memref<2x10112x16xf32, #tpu.memory_space<hbm>>, %arg10: memref<3x128xi32, #tpu.memory_space<vmem>>, %arg11: memref<3x128xi32, #tpu.memory_space<vmem>>, %arg12: memref<128x16xf32, #tpu.memory_space<vmem>>, %arg13: memref<128x16xf32, #tpu.memory_space<vmem>>, %arg14: memref<128x16xf32, #tpu.memory_space<vmem>>, %arg15: memref<2x128x128xf32, #tpu.memory_space<vmem>>, %arg16: memref<2x128xi32, #tpu.memory_space<vmem>>, %arg17: memref<16xf32, #tpu.memory_space<vmem>>, %arg18: memref<10112x128xf32, #tpu.memory_space<vmem_shared>>, %arg19: memref<10112x16xf32, #tpu.memory_space<vmem_shared>>, %arg20: memref<!tpu.dma_semaphore, #tpu.memory_space<semaphore_mem>>, %arg21: memref<!tpu.dma_semaphore, #tpu.memory_space<semaphore_mem>>, %arg22: memref<2x!tpu.dma_semaphore, #tpu.memory_space<semaphore_mem>>, %arg23: memref<2x!tpu.dma_semaphore, #tpu.memory_space<semaphore_mem>>) attributes {dimension_semantics = [#tpu.dimension_semantics<core_parallel>, #tpu.dimension_semantics<subcore_parallel>], iteration_bounds = array<i64: 2, 16>, scalar_prefetch = 0 : i64, scratch_operands = 14 : i64, tpu.core_type = #tpu.core_type<sc_vector_subcore>, window_params = [{transform_indices = #map}, {transform_indices = #map}, {transform_indices = #map}, {transform_indices = #map}, {transform_indices = #map}, {transform_indices = #map1}, {transform_indices = #map2}, {transform_indices = #map2}]} {
    %mul3A = arith.constant 2 : i32
    %mul3A_0 = arith.muli %arg1, %mul3A : i32
    %add3A = arith.addi %mul3A_0, %arg0 : i32
    %broadcast_in_dim3A = arith.constant 0.000000e+00 : f32
    %broadcast_in_dim3A_1 = vector.broadcast %broadcast_in_dim3A : f32 to vector<16xf32>
    %scan3A = arith.constant 0 : i32
    %scan3A_2 = arith.constant 0 : i32
    %scan3A_3 = arith.constant 128 : i32
    %scan3A_4 = arith.addi %scan3A_2, %scan3A_3 : i32
    %scan3A_5 = arith.constant 1 : i32
    %scan3A_6 = scf.for %scan3A_63 = %scan3A_2 to %scan3A_4 step %scan3A_5 iter_args(%scan3A_64 = %scan3A) -> (i32)  : i32 {
      %swap3A = arith.constant 0 : i32
      %swap3A_65 = arith.index_cast %swap3A : i32 to index
      %swap3A_66 = arith.index_cast %scan3A_63 : i32 to index
      %swap3A_67 = arith.constant 0 : index
      %swap3A_68 = tpu.vector_load %arg15[%swap3A_65, %swap3A_66, %swap3A_67] {strides = array<i32>} : memref<2x128x128xf32, #tpu.memory_space<vmem>>, vector<1x1x16xf32>,
      %swap3A_69 = vector.shape_cast %swap3A_68 : vector<1x1x16xf32> to vector<16xf32>
      %swap3A_70 = vector.shape_cast %broadcast_in_dim3A_1 : vector<16xf32> to vector<1x1x16xf32>
      tpu.vector_store %arg15[%swap3A_65, %swap3A_66, %swap3A_67], %swap3A_70 {strides = array<i32>} : memref<2x128x128xf32, #tpu.memory_space<vmem>>, vector<1x1x16xf32>,
      %swap3A_71 = arith.constant 0 : i32
      %swap3A_72 = arith.index_cast %swap3A_71 : i32 to index
      %swap3A_73 = arith.index_cast %scan3A_63 : i32 to index
      %swap3A_74 = arith.constant 16 : index
      %swap3A_75 = tpu.vector_load %arg15[%swap3A_72, %swap3A_73, %swap3A_74] {strides = array<i32>} : memref<2x128x128xf32, #tpu.memory_space<vmem>>, vector<1x1x16xf32>,
      %swap3A_76 = vector.shape_cast %swap3A_75 : vector<1x1x16xf32> to vector<16xf32>
      %swap3A_77 = vector.shape_cast %broadcast_in_dim3A_1 : vector<16xf32> to vector<1x1x16xf32>
      tpu.vector_store %arg15[%swap3A_72, %swap3A_73, %swap3A_74], %swap3A_77 {strides = array<i32>} : memref<2x128x128xf32, #tpu.memory_space<vmem>>, vector<1x1x16xf32>,
      %swap3A_78 = arith.constant 0 : i32
      %swap3A_79 = arith.index_cast %swap3A_78 : i32 to index
      %swap3A_80 = arith.index_cast %scan3A_63 : i32 to index
      %swap3A_81 = arith.constant 32 : index
      %swap3A_82 = tpu.vector_load %arg15[%swap3A_79, %swap3A_80, %swap3A_81] {strides = array<i32>} : memref<2x128x128xf32, #tpu.memory_space<vmem>>, vector<1x1x16xf32>,
      %swap3A_83 = vector.shape_cast %swap3A_82 : vector<1x1x16xf32> to vector<16xf32>
      %swap3A_84 = vector.shape_cast %broadcast_in_dim3A_1 : vector<16xf32> to vector<1x1x16xf32>
      tpu.vector_store %arg15[%swap3A_79, %swap3A_80, %swap3A_81], %swap3A_84 {strides = array<i32>} : memref<2x128x128xf32, #tpu.memory_space<vmem>>, vector<1x1x16xf32>,
      %swap3A_85 = arith.constant 0 : i32
      %swap3A_86 = arith.index_cast %swap3A_85 : i32 to index
      %swap3A_87 = arith.index_cast %scan3A_63 : i32 to index
      %swap3A_88 = arith.constant 48 : index
      %swap3A_89 = tpu.vector_load %arg15[%swap3A_86, %swap3A_87, %swap3A_88] {strides = array<i32>} : memref<2x128x128xf32, #tpu.memory_space<vmem>>, vector<1x1x16xf32>,
      %swap3A_90 = vector.shape_cast %swap3A_89 : vector<1x1x16xf32> to vector<16xf32>
      %swap3A_91 = vector.shape_cast %broadcast_in_dim3A_1 : vector<16xf32> to vector<1x1x16xf32>
      tpu.vector_store %arg15[%swap3A_86, %swap3A_87, %swap3A_88], %swap3A_91 {strides = array<i32>} : memref<2x128x128xf32, #tpu.memory_space<vmem>>, vector<1x1x16xf32>,
      %swap3A_92 = arith.constant 0 : i32
      %swap3A_93 = arith.index_cast %swap3A_92 : i32 to index
      %swap3A_94 = arith.index_cast %scan3A_63 : i32 to index
      %swap3A_95 = arith.constant 64 : index
      %swap3A_96 = tpu.vector_load %arg15[%swap3A_93, %swap3A_94, %swap3A_95] {strides = array<i32>} : memref<2x128x128xf32, #tpu.memory_space<vmem>>, vector<1x1x16xf32>,
      %swap3A_97 = vector.shape_cast %swap3A_96 : vector<1x1x16xf32> to vector<16xf32>
      %swap3A_98 = vector.shape_cast %broadcast_in_dim3A_1 : vector<16xf32> to vector<1x1x16xf32>
      tpu.vector_store %arg15[%swap3A_93, %swap3A_94, %swap3A_95], %swap3A_98 {strides = array<i32>} : memref<2x128x128xf32, #tpu.memory_space<vmem>>, vector<1x1x16xf32>,
      %swap3A_99 = arith.constant 0 : i32
      %swap3A_100 = arith.index_cast %swap3A_99 : i32 to index
      %swap3A_101 = arith.index_cast %scan3A_63 : i32 to index
      %swap3A_102 = arith.constant 80 : index
      %swap3A_103 = tpu.vector_load %arg15[%swap3A_100, %swap3A_101, %swap3A_102] {strides = array<i32>} : memref<2x128x128xf32, #tpu.memory_space<vmem>>, vector<1x1x16xf32>,
      %swap3A_104 = vector.shape_cast %swap3A_103 : vector<1x1x16xf32> to vector<16xf32>
      %swap3A_105 = vector.shape_cast %broadcast_in_dim3A_1 : vector<16xf32> to vector<1x1x16xf32>
      tpu.vector_store %arg15[%swap3A_100, %swap3A_101, %swap3A_102], %swap3A_105 {strides = array<i32>} : memref<2x128x128xf32, #tpu.memory_space<vmem>>, vector<1x1x16xf32>,
      %swap3A_106 = arith.constant 0 : i32
      %swap3A_107 = arith.index_cast %swap3A_106 : i32 to index
      %swap3A_108 = arith.index_cast %scan3A_63 : i32 to index
      %swap3A_109 = arith.constant 96 : index
      %swap3A_110 = tpu.vector_load %arg15[%swap3A_107, %swap3A_108, %swap3A_109] {strides = array<i32>} : memref<2x128x128xf32, #tpu.memory_space<vmem>>, vector<1x1x16xf32>,
      %swap3A_111 = vector.shape_cast %swap3A_110 : vector<1x1x16xf32> to vector<16xf32>
      %swap3A_112 = vector.shape_cast %broadcast_in_dim3A_1 : vector<16xf32> to vector<1x1x16xf32>
      tpu.vector_store %arg15[%swap3A_107, %swap3A_108, %swap3A_109], %swap3A_112 {strides = array<i32>} : memref<2x128x128xf32, #tpu.memory_space<vmem>>, vector<1x1x16xf32>,
      %swap3A_113 = arith.constant 0 : i32
      %swap3A_114 = arith.index_cast %swap3A_113 : i32 to index
      %swap3A_115 = arith.index_cast %scan3A_63 : i32 to index
      %swap3A_116 = arith.constant 112 : index
      %swap3A_117 = tpu.vector_load %arg15[%swap3A_114, %swap3A_115, %swap3A_116] {strides = array<i32>} : memref<2x128x128xf32, #tpu.memory_space<vmem>>, vector<1x1x16xf32>,
      %swap3A_118 = vector.shape_cast %swap3A_117 : vector<1x1x16xf32> to vector<16xf32>
      %swap3A_119 = vector.shape_cast %broadcast_in_dim3A_1 : vector<16xf32> to vector<1x1x16xf32>
      tpu.vector_store %arg15[%swap3A_114, %swap3A_115, %swap3A_116], %swap3A_119 {strides = array<i32>} : memref<2x128x128xf32, #tpu.memory_space<vmem>>, vector<1x1x16xf32>,
      %swap3A_120 = arith.index_cast %scan3A_63 : i32 to index
      %swap3A_121 = arith.constant 0 : index
      %swap3A_122 = tpu.vector_load %arg14[%swap3A_120, %swap3A_121] {strides = array<i32>} : memref<128x16xf32, #tpu.memory_space<vmem>>, vector<1x16xf32>,
      %swap3A_123 = vector.shape_cast %swap3A_122 : vector<1x16xf32> to vector<16xf32>
      %swap3A_124 = vector.shape_cast %broadcast_in_dim3A_1 : vector<16xf32> to vector<1x16xf32>
      tpu.vector_store %arg14[%swap3A_120, %swap3A_121], %swap3A_124 {strides = array<i32>} : memref<128x16xf32, #tpu.memory_space<vmem>>, vector<1x16xf32>,
      %scan3A_125 = arith.constant 0 : i32
      scf.yield %scan3A_125 : i32
    }
    %scan3A_7 = arith.constant 128 : i32
    "tpu.region"() ({
      %run_scoped3A_63 = tpu.sem_alloc : memref<!tpu.dma_semaphore, #tpu.memory_space<semaphore_mem>>
      tpu.enqueue_dma source(%arg7 : memref<16xf32, #tpu.memory_space<hbm>>) target(%arg17 : memref<16xf32, #tpu.memory_space<vmem>>) target_semaphore(%run_scoped3A_63 : memref<!tpu.dma_semaphore, #tpu.memory_space<semaphore_mem>>)
      tpu.wait_dma2 semaphore(%run_scoped3A_63 : memref<!tpu.dma_semaphore, #tpu.memory_space<semaphore_mem>>) src(%arg7 : memref<16xf32, #tpu.memory_space<hbm>>) dst(%arg17 : memref<16xf32, #tpu.memory_space<vmem>>)
      tpu.yield
    }) : () -> ()
    %mul3A_8 = arith.constant 632 : i32
    %mul3A_9 = arith.muli %arg1, %mul3A_8 : i32
    %add3A_10 = arith.constant 0 : i32
    %add3A_11 = arith.addi %mul3A_9, %add3A_10 : i32
    %run_scoped3A = arith.constant 0 : i32
    "tpu.region"() ({
      %run_scoped3A_63 = tpu.sem_alloc : memref<!tpu.dma_semaphore, #tpu.memory_space<semaphore_mem>>
      %dma_start3A = arith.constant 0 : i32
      %dma_start3A_64 = arith.constant 0 : i32
      %dma_start3A_65 = tpu.memref_slice %arg15[%run_scoped3A, %dma_start3A, %dma_start3A_64] : memref<2x128x128xf32, #tpu.memory_space<vmem>> -> memref<1x128x128xf32, #tpu.memory_space<vmem>>
      %dma_start3A_66 = tpu.memref_squeeze %dma_start3A_65 : memref<1x128x128xf32, #tpu.memory_space<vmem>> -> memref<128x128xf32, #tpu.memory_space<vmem>>
      %dma_start3A_67 = arith.constant 0 : i32
      %dma_start3A_68 = tpu.memref_slice %arg18[%add3A_11, %dma_start3A_67] : memref<10112x128xf32, #tpu.memory_space<vmem_shared>> -> memref<128x128xf32, #tpu.memory_space<vmem_shared>>
      %dma_start3A_69 = arith.constant 0 : i32
      %dma_start3A_70 = tpu.memref_slice %arg18[%add3A_11, %dma_start3A_69] : memref<10112x128xf32, #tpu.memory_space<vmem_shared>> -> memref<128x128xf32, #tpu.memory_space<vmem_shared>>
      %dma_start3A_71 = arith.constant 0 : i32
      %dma_start3A_72 = arith.constant 0 : i32
      %dma_start3A_73 = tpu.memref_slice %arg15[%run_scoped3A, %dma_start3A_71, %dma_start3A_72] : memref<2x128x128xf32, #tpu.memory_space<vmem>> -> memref<1x128x128xf32, #tpu.memory_space<vmem>>
      %dma_start3A_74 = tpu.memref_squeeze %dma_start3A_73 : memref<1x128x128xf32, #tpu.memory_space<vmem>> -> memref<128x128xf32, #tpu.memory_space<vmem>>
      tpu.enqueue_dma source(%dma_start3A_74 : memref<128x128xf32, #tpu.memory_space<vmem>>) target(%dma_start3A_70 : memref<128x128xf32, #tpu.memory_space<vmem_shared>>) target_semaphore(%run_scoped3A_63 : memref<!tpu.dma_semaphore, #tpu.memory_space<semaphore_mem>>)
      %dma_wait3A_75 = arith.constant 0 : i32
      %dma_wait3A_76 = arith.constant 0 : i32
      %dma_wait3A_77 = tpu.memref_slice %arg15[%run_scoped3A, %dma_wait3A_75, %dma_wait3A_76] : memref<2x128x128xf32, #tpu.memory_space<vmem>> -> memref<1x128x128xf32, #tpu.memory_space<vmem>>
      %dma_wait3A_78 = tpu.memref_squeeze %dma_wait3A_77 : memref<1x128x128xf32, #tpu.memory_space<vmem>> -> memref<128x128xf32, #tpu.memory_space<vmem>>
      %dma_wait3A_79 = arith.constant 0 : i32
      %dma_wait3A_80 = tpu.memref_slice %arg18[%add3A_11, %dma_wait3A_79] : memref<10112x128xf32, #tpu.memory_space<vmem_shared>> -> memref<128x128xf32, #tpu.memory_space<vmem_shared>>
      %dma_wait3A_81 = arith.constant 0 : i32
      %dma_wait3A_82 = tpu.memref_slice %arg18[%add3A_11, %dma_wait3A_81] : memref<10112x128xf32, #tpu.memory_space<vmem_shared>> -> memref<128x128xf32, #tpu.memory_space<vmem_shared>>
      %dma_wait3A_83 = arith.constant 0 : i32
      %dma_wait3A_84 = arith.constant 0 : i32
      %dma_wait3A_85 = tpu.memref_slice %arg15[%run_scoped3A, %dma_wait3A_83, %dma_wait3A_84] : memref<2x128x128xf32, #tpu.memory_space<vmem>> -> memref<1x128x128xf32, #tpu.memory_space<vmem>>
      %dma_wait3A_86 = tpu.memref_squeeze %dma_wait3A_85 : memref<1x128x128xf32, #tpu.memory_space<vmem>> -> memref<128x128xf32, #tpu.memory_space<vmem>>
      tpu.wait_dma2 semaphore(%run_scoped3A_63 : memref<!tpu.dma_semaphore, #tpu.memory_space<semaphore_mem>>) src(%dma_wait3A_86 : memref<128x128xf32, #tpu.memory_space<vmem>>) dst(%dma_wait3A_82 : memref<128x128xf32, #tpu.memory_space<vmem_shared>>)
      tpu.yield
    }) : () -> ()
    "tpu.region"() ({
      %run_scoped3A_63 = tpu.sem_alloc : memref<!tpu.dma_semaphore, #tpu.memory_space<semaphore_mem>>
      %dma_start3A = arith.constant 0 : i32
      %dma_start3A_64 = arith.constant 0 : i32
      %dma_start3A_65 = tpu.memref_slice %arg14[%dma_start3A, %dma_start3A_64] : memref<128x16xf32, #tpu.memory_space<vmem>> -> memref<128x16xf32, #tpu.memory_space<vmem>>
      %dma_start3A_66 = arith.constant 0 : i32
      %dma_start3A_67 = tpu.memref_slice %arg19[%add3A_11, %dma_start3A_66] : memref<10112x16xf32, #tpu.memory_space<vmem_shared>> -> memref<128x16xf32, #tpu.memory_space<vmem_shared>>
      %dma_start3A_68 = arith.constant 0 : i32
      %dma_start3A_69 = tpu.memref_slice %arg19[%add3A_11, %dma_start3A_68] : memref<10112x16xf32, #tpu.memory_space<vmem_shared>> -> memref<128x16xf32, #tpu.memory_space<vmem_shared>>
      %dma_start3A_70 = arith.constant 0 : i32
      %dma_start3A_71 = arith.constant 0 : i32
      %dma_start3A_72 = tpu.memref_slice %arg14[%dma_start3A_70, %dma_start3A_71] : memref<128x16xf32, #tpu.memory_space<vmem>> -> memref<128x16xf32, #tpu.memory_space<vmem>>
      tpu.enqueue_dma source(%dma_start3A_72 : memref<128x16xf32, #tpu.memory_space<vmem>>) target(%dma_start3A_69 : memref<128x16xf32, #tpu.memory_space<vmem_shared>>) target_semaphore(%run_scoped3A_63 : memref<!tpu.dma_semaphore, #tpu.memory_space<semaphore_mem>>)
      %dma_wait3A_73 = arith.constant 0 : i32
      %dma_wait3A_74 = arith.constant 0 : i32
      %dma_wait3A_75 = tpu.memref_slice %arg14[%dma_wait3A_73, %dma_wait3A_74] : memref<128x16xf32, #tpu.memory_space<vmem>> -> memref<128x16xf32, #tpu.memory_space<vmem>>
      %dma_wait3A_76 = arith.constant 0 : i32
      %dma_wait3A_77 = tpu.memref_slice %arg19[%add3A_11, %dma_wait3A_76] : memref<10112x16xf32, #tpu.memory_space<vmem_shared>> -> memref<128x16xf32, #tpu.memory_space<vmem_shared>>
      %dma_wait3A_78 = arith.constant 0 : i32
      %dma_wait3A_79 = tpu.memref_slice %arg19[%add3A_11, %dma_wait3A_78] : memref<10112x16xf32, #tpu.memory_space<vmem_shared>> -> memref<128x16xf32, #tpu.memory_space<vmem_shared>>
      %dma_wait3A_80 = arith.constant 0 : i32
      %dma_wait3A_81 = arith.constant 0 : i32
      %dma_wait3A_82 = tpu.memref_slice %arg14[%dma_wait3A_80, %dma_wait3A_81] : memref<128x16xf32, #tpu.memory_space<vmem>> -> memref<128x16xf32, #tpu.memory_space<vmem>>
      tpu.wait_dma2 semaphore(%run_scoped3A_63 : memref<!tpu.dma_semaphore, #tpu.memory_space<semaphore_mem>>) src(%dma_wait3A_82 : memref<128x16xf32, #tpu.memory_space<vmem>>) dst(%dma_wait3A_79 : memref<128x16xf32, #tpu.memory_space<vmem_shared>>)
      tpu.yield
    }) : () -> ()
    %add3A_12 = arith.constant 128 : i32
    %add3A_13 = arith.addi %mul3A_9, %add3A_12 : i32
    %run_scoped3A_14 = arith.constant 0 : i32
    "tpu.region"() ({
      %run_scoped3A_63 = tpu.sem_alloc : memref<!tpu.dma_semaphore, #tpu.memory_space<semaphore_mem>>
      %dma_start3A = arith.constant 0 : i32
      %dma_start3A_64 = arith.constant 0 : i32
      %dma_start3A_65 = tpu.memref_slice %arg15[%run_scoped3A_14, %dma_start3A, %dma_start3A_64] : memref<2x128x128xf32, #tpu.memory_space<vmem>> -> memref<1x128x128xf32, #tpu.memory_space<vmem>>
      %dma_start3A_66 = tpu.memref_squeeze %dma_start3A_65 : memref<1x128x128xf32, #tpu.memory_space<vmem>> -> memref<128x128xf32, #tpu.memory_space<vmem>>
      %dma_start3A_67 = arith.constant 0 : i32
      %dma_start3A_68 = tpu.memref_slice %arg18[%add3A_13, %dma_start3A_67] : memref<10112x128xf32, #tpu.memory_space<vmem_shared>> -> memref<128x128xf32, #tpu.memory_space<vmem_shared>>
      %dma_start3A_69 = arith.constant 0 : i32
      %dma_start3A_70 = tpu.memref_slice %arg18[%add3A_13, %dma_start3A_69] : memref<10112x128xf32, #tpu.memory_space<vmem_shared>> -> memref<128x128xf32, #tpu.memory_space<vmem_shared>>
      %dma_start3A_71 = arith.constant 0 : i32
      %dma_start3A_72 = arith.constant 0 : i32
      %dma_start3A_73 = tpu.memref_slice %arg15[%run_scoped3A_14, %dma_start3A_71, %dma_start3A_72] : memref<2x128x128xf32, #tpu.memory_space<vmem>> -> memref<1x128x128xf32, #tpu.memory_space<vmem>>
      %dma_start3A_74 = tpu.memref_squeeze %dma_start3A_73 : memref<1x128x128xf32, #tpu.memory_space<vmem>> -> memref<128x128xf32, #tpu.memory_space<vmem>>
      tpu.enqueue_dma source(%dma_start3A_74 : memref<128x128xf32, #tpu.memory_space<vmem>>) target(%dma_start3A_70 : memref<128x128xf32, #tpu.memory_space<vmem_shared>>) target_semaphore(%run_scoped3A_63 : memref<!tpu.dma_semaphore, #tpu.memory_space<semaphore_mem>>)
      %dma_wait3A_75 = arith.constant 0 : i32
      %dma_wait3A_76 = arith.constant 0 : i32
      %dma_wait3A_77 = tpu.memref_slice %arg15[%run_scoped3A_14, %dma_wait3A_75, %dma_wait3A_76] : memref<2x128x128xf32, #tpu.memory_space<vmem>> -> memref<1x128x128xf32, #tpu.memory_space<vmem>>
      %dma_wait3A_78 = tpu.memref_squeeze %dma_wait3A_77 : memref<1x128x128xf32, #tpu.memory_space<vmem>> -> memref<128x128xf32, #tpu.memory_space<vmem>>
      %dma_wait3A_79 = arith.constant 0 : i32
      %dma_wait3A_80 = tpu.memref_slice %arg18[%add3A_13, %dma_wait3A_79] : memref<10112x128xf32, #tpu.memory_space<vmem_shared>> -> memref<128x128xf32, #tpu.memory_space<vmem_shared>>
      %dma_wait3A_81 = arith.constant 0 : i32
      %dma_wait3A_82 = tpu.memref_slice %arg18[%add3A_13, %dma_wait3A_81] : memref<10112x128xf32, #tpu.memory_space<vmem_shared>> -> memref<128x128xf32, #tpu.memory_space<vmem_shared>>
      %dma_wait3A_83 = arith.constant 0 : i32
      %dma_wait3A_84 = arith.constant 0 : i32
      %dma_wait3A_85 = tpu.memref_slice %arg15[%run_scoped3A_14, %dma_wait3A_83, %dma_wait3A_84] : memref<2x128x128xf32, #tpu.memory_space<vmem>> -> memref<1x128x128xf32, #tpu.memory_space<vmem>>
      %dma_wait3A_86 = tpu.memref_squeeze %dma_wait3A_85 : memref<1x128x128xf32, #tpu.memory_space<vmem>> -> memref<128x128xf32, #tpu.memory_space<vmem>>
      tpu.wait_dma2 semaphore(%run_scoped3A_63 : memref<!tpu.dma_semaphore, #tpu.memory_space<semaphore_mem>>) src(%dma_wait3A_86 : memref<128x128xf32, #tpu.memory_space<vmem>>) dst(%dma_wait3A_82 : memref<128x128xf32, #tpu.memory_space<vmem_shared>>)
      tpu.yield
    }) : () -> ()
    "tpu.region"() ({
      %run_scoped3A_63 = tpu.sem_alloc : memref<!tpu.dma_semaphore, #tpu.memory_space<semaphore_mem>>
      %dma_start3A = arith.constant 0 : i32
      %dma_start3A_64 = arith.constant 0 : i32
      %dma_start3A_65 = tpu.memref_slice %arg14[%dma_start3A, %dma_start3A_64] : memref<128x16xf32, #tpu.memory_space<vmem>> -> memref<128x16xf32, #tpu.memory_space<vmem>>
      %dma_start3A_66 = arith.constant 0 : i32
      %dma_start3A_67 = tpu.memref_slice %arg19[%add3A_13, %dma_start3A_66] : memref<10112x16xf32, #tpu.memory_space<vmem_shared>> -> memref<128x16xf32, #tpu.memory_space<vmem_shared>>
      %dma_start3A_68 = arith.constant 0 : i32
      %dma_start3A_69 = tpu.memref_slice %arg19[%add3A_13, %dma_start3A_68] : memref<10112x16xf32, #tpu.memory_space<vmem_shared>> -> memref<128x16xf32, #tpu.memory_space<vmem_shared>>
      %dma_start3A_70 = arith.constant 0 : i32
      %dma_start3A_71 = arith.constant 0 : i32
      %dma_start3A_72 = tpu.memref_slice %arg14[%dma_start3A_70, %dma_start3A_71] : memref<128x16xf32, #tpu.memory_space<vmem>> -> memref<128x16xf32, #tpu.memory_space<vmem>>
      tpu.enqueue_dma source(%dma_start3A_72 : memref<128x16xf32, #tpu.memory_space<vmem>>) target(%dma_start3A_69 : memref<128x16xf32, #tpu.memory_space<vmem_shared>>) target_semaphore(%run_scoped3A_63 : memref<!tpu.dma_semaphore, #tpu.memory_space<semaphore_mem>>)
      %dma_wait3A_73 = arith.constant 0 : i32
      %dma_wait3A_74 = arith.constant 0 : i32
      %dma_wait3A_75 = tpu.memref_slice %arg14[%dma_wait3A_73, %dma_wait3A_74] : memref<128x16xf32, #tpu.memory_space<vmem>> -> memref<128x16xf32, #tpu.memory_space<vmem>>
      %dma_wait3A_76 = arith.constant 0 : i32
      %dma_wait3A_77 = tpu.memref_slice %arg19[%add3A_13, %dma_wait3A_76] : memref<10112x16xf32, #tpu.memory_space<vmem_shared>> -> memref<128x16xf32, #tpu.memory_space<vmem_shared>>
      %dma_wait3A_78 = arith.constant 0 : i32
      %dma_wait3A_79 = tpu.memref_slice %arg19[%add3A_13, %dma_wait3A_78] : memref<10112x16xf32, #tpu.memory_space<vmem_shared>> -> memref<128x16xf32, #tpu.memory_space<vmem_shared>>
      %dma_wait3A_80 = arith.constant 0 : i32
      %dma_wait3A_81 = arith.constant 0 : i32
      %dma_wait3A_82 = tpu.memref_slice %arg14[%dma_wait3A_80, %dma_wait3A_81] : memref<128x16xf32, #tpu.memory_space<vmem>> -> memref<128x16xf32, #tpu.memory_space<vmem>>
      tpu.wait_dma2 semaphore(%run_scoped3A_63 : memref<!tpu.dma_semaphore, #tpu.memory_space<semaphore_mem>>) src(%dma_wait3A_82 : memref<128x16xf32, #tpu.memory_space<vmem>>) dst(%dma_wait3A_79 : memref<128x16xf32, #tpu.memory_space<vmem_shared>>)
      tpu.yield
    }) : () -> ()
    %add3A_15 = arith.constant 256 : i32
    %add3A_16 = arith.addi %mul3A_9, %add3A_15 : i32
    %run_scoped3A_17 = arith.constant 0 : i32
    "tpu.region"() ({
      %run_scoped3A_63 = tpu.sem_alloc : memref<!tpu.dma_semaphore, #tpu.memory_space<semaphore_mem>>
      %dma_start3A = arith.constant 0 : i32
      %dma_start3A_64 = arith.constant 0 : i32
      %dma_start3A_65 = tpu.memref_slice %arg15[%run_scoped3A_17, %dma_start3A, %dma_start3A_64] : memref<2x128x128xf32, #tpu.memory_space<vmem>> -> memref<1x128x128xf32, #tpu.memory_space<vmem>>
      %dma_start3A_66 = tpu.memref_squeeze %dma_start3A_65 : memref<1x128x128xf32, #tpu.memory_space<vmem>> -> memref<128x128xf32, #tpu.memory_space<vmem>>
      %dma_start3A_67 = arith.constant 0 : i32
      %dma_start3A_68 = tpu.memref_slice %arg18[%add3A_16, %dma_start3A_67] : memref<10112x128xf32, #tpu.memory_space<vmem_shared>> -> memref<128x128xf32, #tpu.memory_space<vmem_shared>>
      %dma_start3A_69 = arith.constant 0 : i32
      %dma_start3A_70 = tpu.memref_slice %arg18[%add3A_16, %dma_start3A_69] : memref<10112x128xf32, #tpu.memory_space<vmem_shared>> -> memref<128x128xf32, #tpu.memory_space<vmem_shared>>
      %dma_start3A_71 = arith.constant 0 : i32
      %dma_start3A_72 = arith.constant 0 : i32
      %dma_start3A_73 = tpu.memref_slice %arg15[%run_scoped3A_17, %dma_start3A_71, %dma_start3A_72] : memref<2x128x128xf32, #tpu.memory_space<vmem>> -> memref<1x128x128xf32, #tpu.memory_space<vmem>>
      %dma_start3A_74 = tpu.memref_squeeze %dma_start3A_73 : memref<1x128x128xf32, #tpu.memory_space<vmem>> -> memref<128x128xf32, #tpu.memory_space<vmem>>
      tpu.enqueue_dma source(%dma_start3A_74 : memref<128x128xf32, #tpu.memory_space<vmem>>) target(%dma_start3A_70 : memref<128x128xf32, #tpu.memory_space<vmem_shared>>) target_semaphore(%run_scoped3A_63 : memref<!tpu.dma_semaphore, #tpu.memory_space<semaphore_mem>>)
      %dma_wait3A_75 = arith.constant 0 : i32
      %dma_wait3A_76 = arith.constant 0 : i32
      %dma_wait3A_77 = tpu.memref_slice %arg15[%run_scoped3A_17, %dma_wait3A_75, %dma_wait3A_76] : memref<2x128x128xf32, #tpu.memory_space<vmem>> -> memref<1x128x128xf32, #tpu.memory_space<vmem>>
      %dma_wait3A_78 = tpu.memref_squeeze %dma_wait3A_77 : memref<1x128x128xf32, #tpu.memory_space<vmem>> -> memref<128x128xf32, #tpu.memory_space<vmem>>
      %dma_wait3A_79 = arith.constant 0 : i32
      %dma_wait3A_80 = tpu.memref_slice %arg18[%add3A_16, %dma_wait3A_79] : memref<10112x128xf32, #tpu.memory_space<vmem_shared>> -> memref<128x128xf32, #tpu.memory_space<vmem_shared>>
      %dma_wait3A_81 = arith.constant 0 : i32
      %dma_wait3A_82 = tpu.memref_slice %arg18[%add3A_16, %dma_wait3A_81] : memref<10112x128xf32, #tpu.memory_space<vmem_shared>> -> memref<128x128xf32, #tpu.memory_space<vmem_shared>>
      %dma_wait3A_83 = arith.constant 0 : i32
      %dma_wait3A_84 = arith.constant 0 : i32
      %dma_wait3A_85 = tpu.memref_slice %arg15[%run_scoped3A_17, %dma_wait3A_83, %dma_wait3A_84] : memref<2x128x128xf32, #tpu.memory_space<vmem>> -> memref<1x128x128xf32, #tpu.memory_space<vmem>>
      %dma_wait3A_86 = tpu.memref_squeeze %dma_wait3A_85 : memref<1x128x128xf32, #tpu.memory_space<vmem>> -> memref<128x128xf32, #tpu.memory_space<vmem>>
      tpu.wait_dma2 semaphore(%run_scoped3A_63 : memref<!tpu.dma_semaphore, #tpu.memory_space<semaphore_mem>>) src(%dma_wait3A_86 : memref<128x128xf32, #tpu.memory_space<vmem>>) dst(%dma_wait3A_82 : memref<128x128xf32, #tpu.memory_space<vmem_shared>>)
      tpu.yield
    }) : () -> ()
    "tpu.region"() ({
      %run_scoped3A_63 = tpu.sem_alloc : memref<!tpu.dma_semaphore, #tpu.memory_space<semaphore_mem>>
      %dma_start3A = arith.constant 0 : i32
      %dma_start3A_64 = arith.constant 0 : i32
      %dma_start3A_65 = tpu.memref_slice %arg14[%dma_start3A, %dma_start3A_64] : memref<128x16xf32, #tpu.memory_space<vmem>> -> memref<128x16xf32, #tpu.memory_space<vmem>>
      %dma_start3A_66 = arith.constant 0 : i32
      %dma_start3A_67 = tpu.memref_slice %arg19[%add3A_16, %dma_start3A_66] : memref<10112x16xf32, #tpu.memory_space<vmem_shared>> -> memref<128x16xf32, #tpu.memory_space<vmem_shared>>
      %dma_start3A_68 = arith.constant 0 : i32
      %dma_start3A_69 = tpu.memref_slice %arg19[%add3A_16, %dma_start3A_68] : memref<10112x16xf32, #tpu.memory_space<vmem_shared>> -> memref<128x16xf32, #tpu.memory_space<vmem_shared>>
      %dma_start3A_70 = arith.constant 0 : i32
      %dma_start3A_71 = arith.constant 0 : i32
      %dma_start3A_72 = tpu.memref_slice %arg14[%dma_start3A_70, %dma_start3A_71] : memref<128x16xf32, #tpu.memory_space<vmem>> -> memref<128x16xf32, #tpu.memory_space<vmem>>
      tpu.enqueue_dma source(%dma_start3A_72 : memref<128x16xf32, #tpu.memory_space<vmem>>) target(%dma_start3A_69 : memref<128x16xf32, #tpu.memory_space<vmem_shared>>) target_semaphore(%run_scoped3A_63 : memref<!tpu.dma_semaphore, #tpu.memory_space<semaphore_mem>>)
      %dma_wait3A_73 = arith.constant 0 : i32
      %dma_wait3A_74 = arith.constant 0 : i32
      %dma_wait3A_75 = tpu.memref_slice %arg14[%dma_wait3A_73, %dma_wait3A_74] : memref<128x16xf32, #tpu.memory_space<vmem>> -> memref<128x16xf32, #tpu.memory_space<vmem>>
      %dma_wait3A_76 = arith.constant 0 : i32
      %dma_wait3A_77 = tpu.memref_slice %arg19[%add3A_16, %dma_wait3A_76] : memref<10112x16xf32, #tpu.memory_space<vmem_shared>> -> memref<128x16xf32, #tpu.memory_space<vmem_shared>>
      %dma_wait3A_78 = arith.constant 0 : i32
      %dma_wait3A_79 = tpu.memref_slice %arg19[%add3A_16, %dma_wait3A_78] : memref<10112x16xf32, #tpu.memory_space<vmem_shared>> -> memref<128x16xf32, #tpu.memory_space<vmem_shared>>
      %dma_wait3A_80 = arith.constant 0 : i32
      %dma_wait3A_81 = arith.constant 0 : i32
      %dma_wait3A_82 = tpu.memref_slice %arg14[%dma_wait3A_80, %dma_wait3A_81] : memref<128x16xf32, #tpu.memory_space<vmem>> -> memref<128x16xf32, #tpu.memory_space<vmem>>
      tpu.wait_dma2 semaphore(%run_scoped3A_63 : memref<!tpu.dma_semaphore, #tpu.memory_space<semaphore_mem>>) src(%dma_wait3A_82 : memref<128x16xf32, #tpu.memory_space<vmem>>) dst(%dma_wait3A_79 : memref<128x16xf32, #tpu.memory_space<vmem_shared>>)
      tpu.yield
    }) : () -> ()
    %add3A_18 = arith.constant 384 : i32
    %add3A_19 = arith.addi %mul3A_9, %add3A_18 : i32
    %run_scoped3A_20 = arith.constant 0 : i32
    "tpu.region"() ({
      %run_scoped3A_63 = tpu.sem_alloc : memref<!tpu.dma_semaphore, #tpu.memory_space<semaphore_mem>>
      %dma_start3A = arith.constant 0 : i32
      %dma_start3A_64 = arith.constant 0 : i32
      %dma_start3A_65 = tpu.memref_slice %arg15[%run_scoped3A_20, %dma_start3A, %dma_start3A_64] : memref<2x128x128xf32, #tpu.memory_space<vmem>> -> memref<1x128x128xf32, #tpu.memory_space<vmem>>
      %dma_start3A_66 = tpu.memref_squeeze %dma_start3A_65 : memref<1x128x128xf32, #tpu.memory_space<vmem>> -> memref<128x128xf32, #tpu.memory_space<vmem>>
      %dma_start3A_67 = arith.constant 0 : i32
      %dma_start3A_68 = tpu.memref_slice %arg18[%add3A_19, %dma_start3A_67] : memref<10112x128xf32, #tpu.memory_space<vmem_shared>> -> memref<128x128xf32, #tpu.memory_space<vmem_shared>>
      %dma_start3A_69 = arith.constant 0 : i32
      %dma_start3A_70 = tpu.memref_slice %arg18[%add3A_19, %dma_start3A_69] : memref<10112x128xf32, #tpu.memory_space<vmem_shared>> -> memref<128x128xf32, #tpu.memory_space<vmem_shared>>
      %dma_start3A_71 = arith.constant 0 : i32
      %dma_start3A_72 = arith.constant 0 : i32
      %dma_start3A_73 = tpu.memref_slice %arg15[%run_scoped3A_20, %dma_start3A_71, %dma_start3A_72] : memref<2x128x128xf32, #tpu.memory_space<vmem>> -> memref<1x128x128xf32, #tpu.memory_space<vmem>>
      %dma_start3A_74 = tpu.memref_squeeze %dma_start3A_73 : memref<1x128x128xf32, #tpu.memory_space<vmem>> -> memref<128x128xf32, #tpu.memory_space<vmem>>
      tpu.enqueue_dma source(%dma_start3A_74 : memref<128x128xf32, #tpu.memory_space<vmem>>) target(%dma_start3A_70 : memref<128x128xf32, #tpu.memory_space<vmem_shared>>) target_semaphore(%run_scoped3A_63 : memref<!tpu.dma_semaphore, #tpu.memory_space<semaphore_mem>>)
      %dma_wait3A_75 = arith.constant 0 : i32
      %dma_wait3A_76 = arith.constant 0 : i32
      %dma_wait3A_77 = tpu.memref_slice %arg15[%run_scoped3A_20, %dma_wait3A_75, %dma_wait3A_76] : memref<2x128x128xf32, #tpu.memory_space<vmem>> -> memref<1x128x128xf32, #tpu.memory_space<vmem>>
      %dma_wait3A_78 = tpu.memref_squeeze %dma_wait3A_77 : memref<1x128x128xf32, #tpu.memory_space<vmem>> -> memref<128x128xf32, #tpu.memory_space<vmem>>
      %dma_wait3A_79 = arith.constant 0 : i32
      %dma_wait3A_80 = tpu.memref_slice %arg18[%add3A_19, %dma_wait3A_79] : memref<10112x128xf32, #tpu.memory_space<vmem_shared>> -> memref<128x128xf32, #tpu.memory_space<vmem_shared>>
      %dma_wait3A_81 = arith.constant 0 : i32
      %dma_wait3A_82 = tpu.memref_slice %arg18[%add3A_19, %dma_wait3A_81] : memref<10112x128xf32, #tpu.memory_space<vmem_shared>> -> memref<128x128xf32, #tpu.memory_space<vmem_shared>>
      %dma_wait3A_83 = arith.constant 0 : i32
      %dma_wait3A_84 = arith.constant 0 : i32
      %dma_wait3A_85 = tpu.memref_slice %arg15[%run_scoped3A_20, %dma_wait3A_83, %dma_wait3A_84] : memref<2x128x128xf32, #tpu.memory_space<vmem>> -> memref<1x128x128xf32, #tpu.memory_space<vmem>>
      %dma_wait3A_86 = tpu.memref_squeeze %dma_wait3A_85 : memref<1x128x128xf32, #tpu.memory_space<vmem>> -> memref<128x128xf32, #tpu.memory_space<vmem>>
      tpu.wait_dma2 semaphore(%run_scoped3A_63 : memref<!tpu.dma_semaphore, #tpu.memory_space<semaphore_mem>>) src(%dma_wait3A_86 : memref<128x128xf32, #tpu.memory_space<vmem>>) dst(%dma_wait3A_82 : memref<128x128xf32, #tpu.memory_space<vmem_shared>>)
      tpu.yield
    }) : () -> ()
    "tpu.region"() ({
      %run_scoped3A_63 = tpu.sem_alloc : memref<!tpu.dma_semaphore, #tpu.memory_space<semaphore_mem>>
      %dma_start3A = arith.constant 0 : i32
      %dma_start3A_64 = arith.constant 0 : i32
      %dma_start3A_65 = tpu.memref_slice %arg14[%dma_start3A, %dma_start3A_64] : memref<128x16xf32, #tpu.memory_space<vmem>> -> memref<128x16xf32, #tpu.memory_space<vmem>>
      %dma_start3A_66 = arith.constant 0 : i32
      %dma_start3A_67 = tpu.memref_slice %arg19[%add3A_19, %dma_start3A_66] : memref<10112x16xf32, #tpu.memory_space<vmem_shared>> -> memref<128x16xf32, #tpu.memory_space<vmem_shared>>
      %dma_start3A_68 = arith.constant 0 : i32
      %dma_start3A_69 = tpu.memref_slice %arg19[%add3A_19, %dma_start3A_68] : memref<10112x16xf32, #tpu.memory_space<vmem_shared>> -> memref<128x16xf32, #tpu.memory_space<vmem_shared>>
      %dma_start3A_70 = arith.constant 0 : i32
      %dma_start3A_71 = arith.constant 0 : i32
      %dma_start3A_72 = tpu.memref_slice %arg14[%dma_start3A_70, %dma_start3A_71] : memref<128x16xf32, #tpu.memory_space<vmem>> -> memref<128x16xf32, #tpu.memory_space<vmem>>
      tpu.enqueue_dma source(%dma_start3A_72 : memref<128x16xf32, #tpu.memory_space<vmem>>) target(%dma_start3A_69 : memref<128x16xf32, #tpu.memory_space<vmem_shared>>) target_semaphore(%run_scoped3A_63 : memref<!tpu.dma_semaphore, #tpu.memory_space<semaphore_mem>>)
      %dma_wait3A_73 = arith.constant 0 : i32
      %dma_wait3A_74 = arith.constant 0 : i32
      %dma_wait3A_75 = tpu.memref_slice %arg14[%dma_wait3A_73, %dma_wait3A_74] : memref<128x16xf32, #tpu.memory_space<vmem>> -> memref<128x16xf32, #tpu.memory_space<vmem>>
      %dma_wait3A_76 = arith.constant 0 : i32
      %dma_wait3A_77 = tpu.memref_slice %arg19[%add3A_19, %dma_wait3A_76] : memref<10112x16xf32, #tpu.memory_space<vmem_shared>> -> memref<128x16xf32, #tpu.memory_space<vmem_shared>>
      %dma_wait3A_78 = arith.constant 0 : i32
      %dma_wait3A_79 = tpu.memref_slice %arg19[%add3A_19, %dma_wait3A_78] : memref<10112x16xf32, #tpu.memory_space<vmem_shared>> -> memref<128x16xf32, #tpu.memory_space<vmem_shared>>
      %dma_wait3A_80 = arith.constant 0 : i32
      %dma_wait3A_81 = arith.constant 0 : i32
      %dma_wait3A_82 = tpu.memref_slice %arg14[%dma_wait3A_80, %dma_wait3A_81] : memref<128x16xf32, #tpu.memory_space<vmem>> -> memref<128x16xf32, #tpu.memory_space<vmem>>
      tpu.wait_dma2 semaphore(%run_scoped3A_63 : memref<!tpu.dma_semaphore, #tpu.memory_space<semaphore_mem>>) src(%dma_wait3A_82 : memref<128x16xf32, #tpu.memory_space<vmem>>) dst(%dma_wait3A_79 : memref<128x16xf32, #tpu.memory_space<vmem_shared>>)
      tpu.yield
    }) : () -> ()
    %add3A_21 = arith.constant 512 : i32
    %add3A_22 = arith.addi %mul3A_9, %add3A_21 : i32
    %run_scoped3A_23 = arith.constant 0 : i32
    "tpu.region"() ({
      %run_scoped3A_63 = tpu.sem_alloc : memref<!tpu.dma_semaphore, #tpu.memory_space<semaphore_mem>>
      %dma_start3A = arith.constant 0 : i32
      %dma_start3A_64 = arith.constant 0 : i32
      %dma_start3A_65 = tpu.memref_slice %arg15[%run_scoped3A_23, %dma_start3A, %dma_start3A_64] : memref<2x128x128xf32, #tpu.memory_space<vmem>> -> memref<1x120x128xf32, #tpu.memory_space<vmem>>
      %dma_start3A_66 = tpu.memref_squeeze %dma_start3A_65 : memref<1x120x128xf32, #tpu.memory_space<vmem>> -> memref<120x128xf32, #tpu.memory_space<vmem>>
      %dma_start3A_67 = arith.constant 0 : i32
      %dma_start3A_68 = tpu.memref_slice %arg18[%add3A_22, %dma_start3A_67] : memref<10112x128xf32, #tpu.memory_space<vmem_shared>> -> memref<120x128xf32, #tpu.memory_space<vmem_shared>>
      %dma_start3A_69 = arith.constant 0 : i32
      %dma_start3A_70 = tpu.memref_slice %arg18[%add3A_22, %dma_start3A_69] : memref<10112x128xf32, #tpu.memory_space<vmem_shared>> -> memref<120x128xf32, #tpu.memory_space<vmem_shared>>
      %dma_start3A_71 = arith.constant 0 : i32
      %dma_start3A_72 = arith.constant 0 : i32
      %dma_start3A_73 = tpu.memref_slice %arg15[%run_scoped3A_23, %dma_start3A_71, %dma_start3A_72] : memref<2x128x128xf32, #tpu.memory_space<vmem>> -> memref<1x120x128xf32, #tpu.memory_space<vmem>>
      %dma_start3A_74 = tpu.memref_squeeze %dma_start3A_73 : memref<1x120x128xf32, #tpu.memory_space<vmem>> -> memref<120x128xf32, #tpu.memory_space<vmem>>
      tpu.enqueue_dma source(%dma_start3A_74 : memref<120x128xf32, #tpu.memory_space<vmem>>) target(%dma_start3A_70 : memref<120x128xf32, #tpu.memory_space<vmem_shared>>) target_semaphore(%run_scoped3A_63 : memref<!tpu.dma_semaphore, #tpu.memory_space<semaphore_mem>>)
      %dma_wait3A_75 = arith.constant 0 : i32
      %dma_wait3A_76 = arith.constant 0 : i32
      %dma_wait3A_77 = tpu.memref_slice %arg15[%run_scoped3A_23, %dma_wait3A_75, %dma_wait3A_76] : memref<2x128x128xf32, #tpu.memory_space<vmem>> -> memref<1x120x128xf32, #tpu.memory_space<vmem>>
      %dma_wait3A_78 = tpu.memref_squeeze %dma_wait3A_77 : memref<1x120x128xf32, #tpu.memory_space<vmem>> -> memref<120x128xf32, #tpu.memory_space<vmem>>
      %dma_wait3A_79 = arith.constant 0 : i32
      %dma_wait3A_80 = tpu.memref_slice %arg18[%add3A_22, %dma_wait3A_79] : memref<10112x128xf32, #tpu.memory_space<vmem_shared>> -> memref<120x128xf32, #tpu.memory_space<vmem_shared>>
      %dma_wait3A_81 = arith.constant 0 : i32
      %dma_wait3A_82 = tpu.memref_slice %arg18[%add3A_22, %dma_wait3A_81] : memref<10112x128xf32, #tpu.memory_space<vmem_shared>> -> memref<120x128xf32, #tpu.memory_space<vmem_shared>>
      %dma_wait3A_83 = arith.constant 0 : i32
      %dma_wait3A_84 = arith.constant 0 : i32
      %dma_wait3A_85 = tpu.memref_slice %arg15[%run_scoped3A_23, %dma_wait3A_83, %dma_wait3A_84] : memref<2x128x128xf32, #tpu.memory_space<vmem>> -> memref<1x120x128xf32, #tpu.memory_space<vmem>>
      %dma_wait3A_86 = tpu.memref_squeeze %dma_wait3A_85 : memref<1x120x128xf32, #tpu.memory_space<vmem>> -> memref<120x128xf32, #tpu.memory_space<vmem>>
      tpu.wait_dma2 semaphore(%run_scoped3A_63 : memref<!tpu.dma_semaphore, #tpu.memory_space<semaphore_mem>>) src(%dma_wait3A_86 : memref<120x128xf32, #tpu.memory_space<vmem>>) dst(%dma_wait3A_82 : memref<120x128xf32, #tpu.memory_space<vmem_shared>>)
      tpu.yield
    }) : () -> ()
    "tpu.region"() ({
      %run_scoped3A_63 = tpu.sem_alloc : memref<!tpu.dma_semaphore, #tpu.memory_space<semaphore_mem>>
      %dma_start3A = arith.constant 0 : i32
      %dma_start3A_64 = arith.constant 0 : i32
      %dma_start3A_65 = tpu.memref_slice %arg14[%dma_start3A, %dma_start3A_64] : memref<128x16xf32, #tpu.memory_space<vmem>> -> memref<120x16xf32, #tpu.memory_space<vmem>>
      %dma_start3A_66 = arith.constant 0 : i32
      %dma_start3A_67 = tpu.memref_slice %arg19[%add3A_22, %dma_start3A_66] : memref<10112x16xf32, #tpu.memory_space<vmem_shared>> -> memref<120x16xf32, #tpu.memory_space<vmem_shared>>
      %dma_start3A_68 = arith.constant 0 : i32
      %dma_start3A_69 = tpu.memref_slice %arg19[%add3A_22, %dma_start3A_68] : memref<10112x16xf32, #tpu.memory_space<vmem_shared>> -> memref<120x16xf32, #tpu.memory_space<vmem_shared>>
      %dma_start3A_70 = arith.constant 0 : i32
      %dma_start3A_71 = arith.constant 0 : i32
      %dma_start3A_72 = tpu.memref_slice %arg14[%dma_start3A_70, %dma_start3A_71] : memref<128x16xf32, #tpu.memory_space<vmem>> -> memref<120x16xf32, #tpu.memory_space<vmem>>
      tpu.enqueue_dma source(%dma_start3A_72 : memref<120x16xf32, #tpu.memory_space<vmem>>) target(%dma_start3A_69 : memref<120x16xf32, #tpu.memory_space<vmem_shared>>) target_semaphore(%run_scoped3A_63 : memref<!tpu.dma_semaphore, #tpu.memory_space<semaphore_mem>>)
      %dma_wait3A_73 = arith.constant 0 : i32
      %dma_wait3A_74 = arith.constant 0 : i32
      %dma_wait3A_75 = tpu.memref_slice %arg14[%dma_wait3A_73, %dma_wait3A_74] : memref<128x16xf32, #tpu.memory_space<vmem>> -> memref<120x16xf32, #tpu.memory_space<vmem>>
      %dma_wait3A_76 = arith.constant 0 : i32
      %dma_wait3A_77 = tpu.memref_slice %arg19[%add3A_22, %dma_wait3A_76] : memref<10112x16xf32, #tpu.memory_space<vmem_shared>> -> memref<120x16xf32, #tpu.memory_space<vmem_shared>>
      %dma_wait3A_78 = arith.constant 0 : i32
      %dma_wait3A_79 = tpu.memref_slice %arg19[%add3A_22, %dma_wait3A_78] : memref<10112x16xf32, #tpu.memory_space<vmem_shared>> -> memref<120x16xf32, #tpu.memory_space<vmem_shared>>
      %dma_wait3A_80 = arith.constant 0 : i32
      %dma_wait3A_81 = arith.constant 0 : i32
      %dma_wait3A_82 = tpu.memref_slice %arg14[%dma_wait3A_80, %dma_wait3A_81] : memref<128x16xf32, #tpu.memory_space<vmem>> -> memref<120x16xf32, #tpu.memory_space<vmem>>
      tpu.wait_dma2 semaphore(%run_scoped3A_63 : memref<!tpu.dma_semaphore, #tpu.memory_space<semaphore_mem>>) src(%dma_wait3A_82 : memref<120x16xf32, #tpu.memory_space<vmem>>) dst(%dma_wait3A_79 : memref<120x16xf32, #tpu.memory_space<vmem_shared>>)
      tpu.yield
    }) : () -> ()
    %barrier3A = arith.constant 0 : index
    tpu.barrier barrier_id(%barrier3A)
    %get3A = arith.constant 0 : index
    %get3A_24 = tpu.vector_load %arg17[%get3A] {strides = array<i32>} : memref<16xf32, #tpu.memory_space<vmem>>, vector<16xf32>,
    %get3A_25 = vector.shape_cast %get3A_24 : vector<16xf32> to vector<16xf32>
    %iota3A = tpu.iota {dimensions = array<i32: 0>} : vector<16xi32>
    %scan3A_26 = arith.constant 0 : i32
    %scan3A_27 = arith.constant 0 : i32
    %scan3A_28 = arith.constant 27 : i32
    %scan3A_29 = arith.addi %scan3A_27, %scan3A_28 : i32
    %scan3A_30 = arith.constant 1 : i32
    %scan3A_31 = scf.for %scan3A_63 = %scan3A_27 to %scan3A_29 step %scan3A_30 iter_args(%scan3A_64 = %scan3A_26) -> (i32)  : i32 {
      %mul3A_65 = arith.constant 81 : i32
      %mul3A_66 = arith.muli %add3A, %mul3A_65 : i32
      %mul3A_67 = arith.constant 3 : i32
      %mul3A_68 = arith.muli %scan3A_63, %mul3A_67 : i32
      %add3A_69 = arith.addi %mul3A_66, %mul3A_68 : i32
      "tpu.region"() ({
        %run_scoped3A_78 = tpu.sem_alloc : memref<!tpu.dma_semaphore, #tpu.memory_space<semaphore_mem>>
        %dma_start3A = arith.constant 0 : i32
        %dma_start3A_79 = tpu.memref_slice %arg2[%add3A_69, %dma_start3A] : memref<2592x128xi32, #tpu.memory_space<hbm>> -> memref<3x128xi32, #tpu.memory_space<hbm>>
        %dma_start3A_80 = arith.constant 0 : i32
        %dma_start3A_81 = tpu.memref_slice %arg2[%add3A_69, %dma_start3A_80] : memref<2592x128xi32, #tpu.memory_space<hbm>> -> memref<3x128xi32, #tpu.memory_space<hbm>>
        tpu.enqueue_dma source(%dma_start3A_81 : memref<3x128xi32, #tpu.memory_space<hbm>>) target(%arg10 : memref<3x128xi32, #tpu.memory_space<vmem>>) target_semaphore(%run_scoped3A_78 : memref<!tpu.dma_semaphore, #tpu.memory_space<semaphore_mem>>)
        %dma_wait3A_82 = arith.constant 0 : i32
        %dma_wait3A_83 = tpu.memref_slice %arg2[%add3A_69, %dma_wait3A_82] : memref<2592x128xi32, #tpu.memory_space<hbm>> -> memref<3x128xi32, #tpu.memory_space<hbm>>
        %dma_wait3A_84 = arith.constant 0 : i32
        %dma_wait3A_85 = tpu.memref_slice %arg2[%add3A_69, %dma_wait3A_84] : memref<2592x128xi32, #tpu.memory_space<hbm>> -> memref<3x128xi32, #tpu.memory_space<hbm>>
        tpu.wait_dma2 semaphore(%run_scoped3A_78 : memref<!tpu.dma_semaphore, #tpu.memory_space<semaphore_mem>>) src(%dma_wait3A_85 : memref<3x128xi32, #tpu.memory_space<hbm>>) dst(%arg10 : memref<3x128xi32, #tpu.memory_space<vmem>>)
        tpu.yield
      }) : () -> ()
      "tpu.region"() ({
        %run_scoped3A_78 = tpu.sem_alloc : memref<!tpu.dma_semaphore, #tpu.memory_space<semaphore_mem>>
        %dma_start3A = arith.constant 0 : i32
        %dma_start3A_79 = tpu.memref_slice %arg3[%add3A_69, %dma_start3A] : memref<2592x128xi32, #tpu.memory_space<hbm>> -> memref<3x128xi32, #tpu.memory_space<hbm>>
        %dma_start3A_80 = arith.constant 0 : i32
        %dma_start3A_81 = tpu.memref_slice %arg3[%add3A_69, %dma_start3A_80] : memref<2592x128xi32, #tpu.memory_space<hbm>> -> memref<3x128xi32, #tpu.memory_space<hbm>>
        tpu.enqueue_dma source(%dma_start3A_81 : memref<3x128xi32, #tpu.memory_space<hbm>>) target(%arg11 : memref<3x128xi32, #tpu.memory_space<vmem>>) target_semaphore(%run_scoped3A_78 : memref<!tpu.dma_semaphore, #tpu.memory_space<semaphore_mem>>)
        %dma_wait3A_82 = arith.constant 0 : i32
        %dma_wait3A_83 = tpu.memref_slice %arg3[%add3A_69, %dma_wait3A_82] : memref<2592x128xi32, #tpu.memory_space<hbm>> -> memref<3x128xi32, #tpu.memory_space<hbm>>
        %dma_wait3A_84 = arith.constant 0 : i32
        %dma_wait3A_85 = tpu.memref_slice %arg3[%add3A_69, %dma_wait3A_84] : memref<2592x128xi32, #tpu.memory_space<hbm>> -> memref<3x128xi32, #tpu.memory_space<hbm>>
        tpu.wait_dma2 semaphore(%run_scoped3A_78 : memref<!tpu.dma_semaphore, #tpu.memory_space<semaphore_mem>>) src(%dma_wait3A_85 : memref<3x128xi32, #tpu.memory_space<hbm>>) dst(%arg11 : memref<3x128xi32, #tpu.memory_space<vmem>>)
        tpu.yield
      }) : () -> ()
      %scan3A_70 = arith.constant 0 : i32
      %scan3A_71 = arith.constant 0 : i32
      %scan3A_72 = arith.constant 3 : i32
      %scan3A_73 = arith.addi %scan3A_71, %scan3A_72 : i32
      %scan3A_74 = arith.constant 1 : i32
      %scan3A_75 = scf.for %scan3A_78 = %scan3A_71 to %scan3A_73 step %scan3A_74 iter_args(%scan3A_79 = %scan3A_70) -> (i32)  : i32 {
        %mul3A_80 = arith.constant 3 : i32
        %mul3A_81 = arith.muli %scan3A_63, %mul3A_80 : i32
        %add3A_82 = arith.addi %mul3A_81, %scan3A_78 : i32
        %rem3A = arith.constant 2 : i32
        %rem3A_83 = arith.remsi %add3A_82, %rem3A : i32
        %ge3A = arith.constant 2 : i32
        %ge3A_84 = arith.cmpi sge, %add3A_82, %ge3A : i32
        %convert_element_type3A = arith.extui %ge3A_84 : i1 to i32
        %cond3A = arith.constant 0 : i32
        %cond3A_85 = arith.cmpi ne, %convert_element_type3A, %cond3A : i32
        scf.if %cond3A_85 {
          %dma_wait3A_243 = arith.constant 0 : i32
          %dma_wait3A_244 = arith.constant 0 : i32
          %dma_wait3A_245 = tpu.memref_slice %arg15[%rem3A_83, %dma_wait3A_243, %dma_wait3A_244] : memref<2x128x128xf32, #tpu.memory_space<vmem>> -> memref<1x128x128xf32, #tpu.memory_space<vmem>>
          %dma_wait3A_246 = tpu.memref_squeeze %dma_wait3A_245 : memref<1x128x128xf32, #tpu.memory_space<vmem>> -> memref<128x128xf32, #tpu.memory_space<vmem>>
          %dma_wait3A_247 = arith.constant 0 : i32
          %dma_wait3A_248 = tpu.memref_slice %arg16[%rem3A_83, %dma_wait3A_247] : memref<2x128xi32, #tpu.memory_space<vmem>> -> memref<1x128xi32, #tpu.memory_space<vmem>>
          %dma_wait3A_249 = tpu.memref_squeeze %dma_wait3A_248 : memref<1x128xi32, #tpu.memory_space<vmem>> -> memref<128xi32, #tpu.memory_space<vmem>>
          %dma_wait3A_250 = arith.constant 0 : i32
          %dma_wait3A_251 = arith.constant 0 : i32
          %dma_wait3A_252 = tpu.memref_slice %arg18[%dma_wait3A_250, %dma_wait3A_251] : memref<10112x128xf32, #tpu.memory_space<vmem_shared>> -> memref<10112x128xf32, #tpu.memory_space<vmem_shared>>
          %dma_wait3A_253 = tpu.memref_slice %arg23[%rem3A_83] : memref<2x!tpu.dma_semaphore, #tpu.memory_space<semaphore_mem>> -> memref<1x!tpu.dma_semaphore, #tpu.memory_space<semaphore_mem>>
          %dma_wait3A_254 = tpu.memref_squeeze %dma_wait3A_253 : memref<1x!tpu.dma_semaphore, #tpu.memory_space<semaphore_mem>> -> memref<!tpu.dma_semaphore, #tpu.memory_space<semaphore_mem>>
          tpu.wait_indirect_dma semaphore(%dma_wait3A_254 : memref<!tpu.dma_semaphore, #tpu.memory_space<semaphore_mem>>) src(%dma_wait3A_246 : memref<128x128xf32, #tpu.memory_space<vmem>>) dst(%dma_wait3A_252 : memref<10112x128xf32, #tpu.memory_space<vmem_shared>>)
        } else {
        }
        %dma_start3A = arith.constant 0 : i32
        %dma_start3A_86 = tpu.memref_slice %arg10[%scan3A_78, %dma_start3A] : memref<3x128xi32, #tpu.memory_space<vmem>> -> memref<1x128xi32, #tpu.memory_space<vmem>>
        %dma_start3A_87 = tpu.memref_squeeze %dma_start3A_86 : memref<1x128xi32, #tpu.memory_space<vmem>> -> memref<128xi32, #tpu.memory_space<vmem>>
        %dma_start3A_88 = arith.constant 0 : i32
        %dma_start3A_89 = arith.constant 0 : i32
        %dma_start3A_90 = tpu.memref_slice %arg4[%dma_start3A_88, %dma_start3A_89] : memref<10000x16xf32, #tpu.memory_space<hbm>> -> memref<10000x16xf32, #tpu.memory_space<hbm>>
        tpu.enqueue_indirect_dma source(%dma_start3A_90 : memref<10000x16xf32, #tpu.memory_space<hbm>>) target(%arg12 : memref<128x16xf32, #tpu.memory_space<vmem>>) offsets(%dma_start3A_87 : memref<128xi32, #tpu.memory_space<vmem>>) semaphore(%arg20 : memref<!tpu.dma_semaphore, #tpu.memory_space<semaphore_mem>>)
        %dma_start3A_91 = arith.constant 0 : i32
        %dma_start3A_92 = tpu.memref_slice %arg11[%scan3A_78, %dma_start3A_91] : memref<3x128xi32, #tpu.memory_space<vmem>> -> memref<1x128xi32, #tpu.memory_space<vmem>>
        %dma_start3A_93 = tpu.memref_squeeze %dma_start3A_92 : memref<1x128xi32, #tpu.memory_space<vmem>> -> memref<128xi32, #tpu.memory_space<vmem>>
        %dma_start3A_94 = arith.constant 0 : i32
        %dma_start3A_95 = arith.constant 0 : i32
        %dma_start3A_96 = tpu.memref_slice %arg5[%dma_start3A_94, %dma_start3A_95] : memref<10112x16xf32, #tpu.memory_space<hbm>> -> memref<10112x16xf32, #tpu.memory_space<hbm>>
        tpu.enqueue_indirect_dma source(%dma_start3A_96 : memref<10112x16xf32, #tpu.memory_space<hbm>>) target(%arg13 : memref<128x16xf32, #tpu.memory_space<vmem>>) offsets(%dma_start3A_93 : memref<128xi32, #tpu.memory_space<vmem>>) semaphore(%arg21 : memref<!tpu.dma_semaphore, #tpu.memory_space<semaphore_mem>>)
        %dma_start3A_97 = arith.constant 0 : i32
        %dma_start3A_98 = arith.constant 0 : i32
        %dma_start3A_99 = tpu.memref_slice %arg15[%rem3A_83, %dma_start3A_97, %dma_start3A_98] : memref<2x128x128xf32, #tpu.memory_space<vmem>> -> memref<1x128x128xf32, #tpu.memory_space<vmem>>
        %dma_start3A_100 = tpu.memref_squeeze %dma_start3A_99 : memref<1x128x128xf32, #tpu.memory_space<vmem>> -> memref<128x128xf32, #tpu.memory_space<vmem>>
        %dma_start3A_101 = arith.constant 0 : i32
        %dma_start3A_102 = tpu.memref_slice %arg10[%scan3A_78, %dma_start3A_101] : memref<3x128xi32, #tpu.memory_space<vmem>> -> memref<1x128xi32, #tpu.memory_space<vmem>>
        %dma_start3A_103 = tpu.memref_squeeze %dma_start3A_102 : memref<1x128xi32, #tpu.memory_space<vmem>> -> memref<128xi32, #tpu.memory_space<vmem>>
        %dma_start3A_104 = arith.constant 0 : i32
        %dma_start3A_105 = arith.constant 0 : i32
        %dma_start3A_106 = tpu.memref_slice %arg6[%dma_start3A_104, %dma_start3A_105] : memref<10000x128xf32, #tpu.memory_space<hbm>> -> memref<10000x128xf32, #tpu.memory_space<hbm>>
        %dma_start3A_107 = tpu.memref_slice %arg22[%rem3A_83] : memref<2x!tpu.dma_semaphore, #tpu.memory_space<semaphore_mem>> -> memref<1x!tpu.dma_semaphore, #tpu.memory_space<semaphore_mem>>
        %dma_start3A_108 = tpu.memref_squeeze %dma_start3A_107 : memref<1x!tpu.dma_semaphore, #tpu.memory_space<semaphore_mem>> -> memref<!tpu.dma_semaphore, #tpu.memory_space<semaphore_mem>>
        tpu.enqueue_indirect_dma source(%dma_start3A_106 : memref<10000x128xf32, #tpu.memory_space<hbm>>) target(%dma_start3A_100 : memref<128x128xf32, #tpu.memory_space<vmem>>) offsets(%dma_start3A_103 : memref<128xi32, #tpu.memory_space<vmem>>) semaphore(%dma_start3A_108 : memref<!tpu.dma_semaphore, #tpu.memory_space<semaphore_mem>>)
        %dma_wait3A_109 = arith.constant 0 : i32
        %dma_wait3A_110 = tpu.memref_slice %arg10[%scan3A_78, %dma_wait3A_109] : memref<3x128xi32, #tpu.memory_space<vmem>> -> memref<1x128xi32, #tpu.memory_space<vmem>>
        %dma_wait3A_111 = tpu.memref_squeeze %dma_wait3A_110 : memref<1x128xi32, #tpu.memory_space<vmem>> -> memref<128xi32, #tpu.memory_space<vmem>>
        %dma_wait3A_112 = arith.constant 0 : i32
        %dma_wait3A_113 = arith.constant 0 : i32
        %dma_wait3A_114 = tpu.memref_slice %arg4[%dma_wait3A_112, %dma_wait3A_113] : memref<10000x16xf32, #tpu.memory_space<hbm>> -> memref<10000x16xf32, #tpu.memory_space<hbm>>
        tpu.wait_indirect_dma semaphore(%arg20 : memref<!tpu.dma_semaphore, #tpu.memory_space<semaphore_mem>>) src(%dma_wait3A_114 : memref<10000x16xf32, #tpu.memory_space<hbm>>) dst(%arg12 : memref<128x16xf32, #tpu.memory_space<vmem>>)
        %dma_wait3A_115 = arith.constant 0 : i32
        %dma_wait3A_116 = tpu.memref_slice %arg11[%scan3A_78, %dma_wait3A_115] : memref<3x128xi32, #tpu.memory_space<vmem>> -> memref<1x128xi32, #tpu.memory_space<vmem>>
        %dma_wait3A_117 = tpu.memref_squeeze %dma_wait3A_116 : memref<1x128xi32, #tpu.memory_space<vmem>> -> memref<128xi32, #tpu.memory_space<vmem>>
        %dma_wait3A_118 = arith.constant 0 : i32
        %dma_wait3A_119 = arith.constant 0 : i32
        %dma_wait3A_120 = tpu.memref_slice %arg5[%dma_wait3A_118, %dma_wait3A_119] : memref<10112x16xf32, #tpu.memory_space<hbm>> -> memref<10112x16xf32, #tpu.memory_space<hbm>>
        tpu.wait_indirect_dma semaphore(%arg21 : memref<!tpu.dma_semaphore, #tpu.memory_space<semaphore_mem>>) src(%dma_wait3A_120 : memref<10112x16xf32, #tpu.memory_space<hbm>>) dst(%arg13 : memref<128x16xf32, #tpu.memory_space<vmem>>)
        %scan3A_121 = arith.constant 0 : i32
        %scan3A_122 = arith.constant 0 : i32
        %scan3A_123 = arith.constant 128 : i32
        %scan3A_124 = arith.addi %scan3A_122, %scan3A_123 : i32
        %scan3A_125 = arith.constant 1 : i32
        %scan3A_126 = scf.for %scan3A_243 = %scan3A_122 to %scan3A_124 step %scan3A_125 iter_args(%scan3A_244 = %scan3A_121) -> (i32)  : i32 {
          %get3A_245 = arith.index_cast %scan3A_243 : i32 to index
          %get3A_246 = arith.constant 0 : index
          %get3A_247 = tpu.vector_load %arg12[%get3A_245, %get3A_246] {strides = array<i32>} : memref<128x16xf32, #tpu.memory_space<vmem>>, vector<1x16xf32>,
          %get3A_248 = vector.shape_cast %get3A_247 : vector<1x16xf32> to vector<16xf32>
          %get3A_249 = arith.index_cast %scan3A_243 : i32 to index
          %get3A_250 = arith.constant 0 : index
          %get3A_251 = tpu.vector_load %arg13[%get3A_249, %get3A_250] {strides = array<i32>} : memref<128x16xf32, #tpu.memory_space<vmem>>, vector<1x16xf32>,
          %get3A_252 = vector.shape_cast %get3A_251 : vector<1x16xf32> to vector<16xf32>
          %add3A_253 = arith.addf %get3A_248, %get3A_252 : vector<16xf32>
          %mul3A_254 = arith.constant 2.000000e-01 : f32
          %mul3A_255 = vector.broadcast %mul3A_254 : f32 to vector<16xf32>
          %mul3A_256 = arith.mulf %mul3A_255, %add3A_253 : vector<16xf32>
          %max3A = arith.maximumf %add3A_253, %mul3A_256 : vector<16xf32>
          %add3A_257 = arith.addf %get3A_252, %get3A_25 : vector<16xf32>
          %mul3A_258 = arith.constant 2.000000e-01 : f32
          %mul3A_259 = vector.broadcast %mul3A_258 : f32 to vector<16xf32>
          %mul3A_260 = arith.mulf %mul3A_259, %add3A_257 : vector<16xf32>
          %max3A_261 = arith.maximumf %add3A_257, %mul3A_260 : vector<16xf32>
          %sub3A = arith.subf %max3A, %max3A_261 : vector<16xf32>
          %exp3A = math.exp %sub3A : vector<16xf32>
          %lt3A = arith.constant 4 : i32
          %lt3A_262 = vector.broadcast %lt3A : i32 to vector<16xi32>
          %lt3A_263 = arith.cmpi slt, %iota3A, %lt3A_262 : vector<16xi32>
          %jit3A = arith.constant 0.000000e+00 : f32
          %broadcast_in_dim3A_264 = vector.broadcast %jit3A : f32 to vector<16xf32>
          %select_n3A = arith.select %lt3A_263, %exp3A, %broadcast_in_dim3A_264 : vector<16xi1>, vector<16xf32>
          %swap3A_265 = arith.index_cast %scan3A_243 : i32 to index
          %swap3A_266 = arith.constant 0 : index
          %swap3A_267 = tpu.vector_load %arg14[%swap3A_265, %swap3A_266] {strides = array<i32>} : memref<128x16xf32, #tpu.memory_space<vmem>>, vector<1x16xf32>,
          %swap3A_268 = vector.shape_cast %swap3A_267 : vector<1x16xf32> to vector<16xf32>
          %swap3A_269 = vector.shape_cast %select_n3A : vector<16xf32> to vector<1x16xf32>
          tpu.vector_store %arg14[%swap3A_265, %swap3A_266], %swap3A_269 {strides = array<i32>} : memref<128x16xf32, #tpu.memory_space<vmem>>, vector<1x16xf32>,
          %scan3A_270 = arith.constant 0 : i32
          scf.yield %scan3A_270 : i32
        }
        %scan3A_127 = arith.constant 128 : i32
        %dma_wait3A_128 = arith.constant 0 : i32
        %dma_wait3A_129 = arith.constant 0 : i32
        %dma_wait3A_130 = tpu.memref_slice %arg15[%rem3A_83, %dma_wait3A_128, %dma_wait3A_129] : memref<2x128x128xf32, #tpu.memory_space<vmem>> -> memref<1x128x128xf32, #tpu.memory_space<vmem>>
        %dma_wait3A_131 = tpu.memref_squeeze %dma_wait3A_130 : memref<1x128x128xf32, #tpu.memory_space<vmem>> -> memref<128x128xf32, #tpu.memory_space<vmem>>
        %dma_wait3A_132 = arith.constant 0 : i32
        %dma_wait3A_133 = tpu.memref_slice %arg10[%scan3A_78, %dma_wait3A_132] : memref<3x128xi32, #tpu.memory_space<vmem>> -> memref<1x128xi32, #tpu.memory_space<vmem>>
        %dma_wait3A_134 = tpu.memref_squeeze %dma_wait3A_133 : memref<1x128xi32, #tpu.memory_space<vmem>> -> memref<128xi32, #tpu.memory_space<vmem>>
        %dma_wait3A_135 = arith.constant 0 : i32
        %dma_wait3A_136 = arith.constant 0 : i32
        %dma_wait3A_137 = tpu.memref_slice %arg6[%dma_wait3A_135, %dma_wait3A_136] : memref<10000x128xf32, #tpu.memory_space<hbm>> -> memref<10000x128xf32, #tpu.memory_space<hbm>>
        %dma_wait3A_138 = tpu.memref_slice %arg22[%rem3A_83] : memref<2x!tpu.dma_semaphore, #tpu.memory_space<semaphore_mem>> -> memref<1x!tpu.dma_semaphore, #tpu.memory_space<semaphore_mem>>
        %dma_wait3A_139 = tpu.memref_squeeze %dma_wait3A_138 : memref<1x!tpu.dma_semaphore, #tpu.memory_space<semaphore_mem>> -> memref<!tpu.dma_semaphore, #tpu.memory_space<semaphore_mem>>
        tpu.wait_indirect_dma semaphore(%dma_wait3A_139 : memref<!tpu.dma_semaphore, #tpu.memory_space<semaphore_mem>>) src(%dma_wait3A_137 : memref<10000x128xf32, #tpu.memory_space<hbm>>) dst(%dma_wait3A_131 : memref<128x128xf32, #tpu.memory_space<vmem>>)
        %scan3A_140 = arith.constant 0 : i32
        %scan3A_141 = arith.constant 0 : i32
        %scan3A_142 = arith.constant 128 : i32
        %scan3A_143 = arith.addi %scan3A_141, %scan3A_142 : i32
        %scan3A_144 = arith.constant 1 : i32
        %scan3A_145 = scf.for %scan3A_243 = %scan3A_141 to %scan3A_143 step %scan3A_144 iter_args(%scan3A_244 = %scan3A_140) -> (i32)  : i32 {
          %get3A_245 = arith.index_cast %scan3A_243 : i32 to index
          %get3A_246 = arith.constant 0 : index
          %get3A_247 = tpu.vector_load %arg14[%get3A_245, %get3A_246] {strides = array<i32>} : memref<128x16xf32, #tpu.memory_space<vmem>>, vector<1x16xf32>,
          %get3A_248 = vector.shape_cast %get3A_247 : vector<1x16xf32> to vector<16xf32>
          %slice3A = vector.extract_strided_slice %get3A_248 {offsets = [0], sizes = [1], strides = [1]} : vector<16xf32> to vector<1xf32>
          %squeeze3A = vector.extract %slice3A[0] : f32 from vector<1xf32>
          %get3A_249 = arith.index_cast %rem3A_83 : i32 to index
          %get3A_250 = arith.index_cast %scan3A_243 : i32 to index
          %get3A_251 = arith.constant 0 : index
          %get3A_252 = tpu.vector_load %arg15[%get3A_249, %get3A_250, %get3A_251] {strides = array<i32>} : memref<2x128x128xf32, #tpu.memory_space<vmem>>, vector<1x1x16xf32>,
          %get3A_253 = vector.shape_cast %get3A_252 : vector<1x1x16xf32> to vector<16xf32>
          %mul3A_254 = vector.broadcast %squeeze3A : f32 to vector<16xf32>
          %mul3A_255 = arith.mulf %get3A_253, %mul3A_254 : vector<16xf32>
          %swap3A_256 = arith.index_cast %rem3A_83 : i32 to index
          %swap3A_257 = arith.index_cast %scan3A_243 : i32 to index
          %swap3A_258 = arith.constant 0 : index
          %swap3A_259 = tpu.vector_load %arg15[%swap3A_256, %swap3A_257, %swap3A_258] {strides = array<i32>} : memref<2x128x128xf32, #tpu.memory_space<vmem>>, vector<1x1x16xf32>,
          %swap3A_260 = vector.shape_cast %swap3A_259 : vector<1x1x16xf32> to vector<16xf32>
          %swap3A_261 = vector.shape_cast %mul3A_255 : vector<16xf32> to vector<1x1x16xf32>
          tpu.vector_store %arg15[%swap3A_256, %swap3A_257, %swap3A_258], %swap3A_261 {strides = array<i32>} : memref<2x128x128xf32, #tpu.memory_space<vmem>>, vector<1x1x16xf32>,
          %get3A_262 = arith.index_cast %rem3A_83 : i32 to index
          %get3A_263 = arith.index_cast %scan3A_243 : i32 to index
          %get3A_264 = arith.constant 16 : index
          %get3A_265 = tpu.vector_load %arg15[%get3A_262, %get3A_263, %get3A_264] {strides = array<i32>} : memref<2x128x128xf32, #tpu.memory_space<vmem>>, vector<1x1x16xf32>,
          %get3A_266 = vector.shape_cast %get3A_265 : vector<1x1x16xf32> to vector<16xf32>
          %mul3A_267 = vector.broadcast %squeeze3A : f32 to vector<16xf32>
          %mul3A_268 = arith.mulf %get3A_266, %mul3A_267 : vector<16xf32>
          %swap3A_269 = arith.index_cast %rem3A_83 : i32 to index
          %swap3A_270 = arith.index_cast %scan3A_243 : i32 to index
          %swap3A_271 = arith.constant 16 : index
          %swap3A_272 = tpu.vector_load %arg15[%swap3A_269, %swap3A_270, %swap3A_271] {strides = array<i32>} : memref<2x128x128xf32, #tpu.memory_space<vmem>>, vector<1x1x16xf32>,
          %swap3A_273 = vector.shape_cast %swap3A_272 : vector<1x1x16xf32> to vector<16xf32>
          %swap3A_274 = vector.shape_cast %mul3A_268 : vector<16xf32> to vector<1x1x16xf32>
          tpu.vector_store %arg15[%swap3A_269, %swap3A_270, %swap3A_271], %swap3A_274 {strides = array<i32>} : memref<2x128x128xf32, #tpu.memory_space<vmem>>, vector<1x1x16xf32>,
          %slice3A_275 = vector.extract_strided_slice %get3A_248 {offsets = [1], sizes = [1], strides = [1]} : vector<16xf32> to vector<1xf32>
          %squeeze3A_276 = vector.extract %slice3A_275[0] : f32 from vector<1xf32>
          %get3A_277 = arith.index_cast %rem3A_83 : i32 to index
          %get3A_278 = arith.index_cast %scan3A_243 : i32 to index
          %get3A_279 = arith.constant 32 : index
          %get3A_280 = tpu.vector_load %arg15[%get3A_277, %get3A_278, %get3A_279] {strides = array<i32>} : memref<2x128x128xf32, #tpu.memory_space<vmem>>, vector<1x1x16xf32>,
          %get3A_281 = vector.shape_cast %get3A_280 : vector<1x1x16xf32> to vector<16xf32>
          %mul3A_282 = vector.broadcast %squeeze3A_276 : f32 to vector<16xf32>
          %mul3A_283 = arith.mulf %get3A_281, %mul3A_282 : vector<16xf32>
          %swap3A_284 = arith.index_cast %rem3A_83 : i32 to index
          %swap3A_285 = arith.index_cast %scan3A_243 : i32 to index
          %swap3A_286 = arith.constant 32 : index
          %swap3A_287 = tpu.vector_load %arg15[%swap3A_284, %swap3A_285, %swap3A_286] {strides = array<i32>} : memref<2x128x128xf32, #tpu.memory_space<vmem>>, vector<1x1x16xf32>,
          %swap3A_288 = vector.shape_cast %swap3A_287 : vector<1x1x16xf32> to vector<16xf32>
          %swap3A_289 = vector.shape_cast %mul3A_283 : vector<16xf32> to vector<1x1x16xf32>
          tpu.vector_store %arg15[%swap3A_284, %swap3A_285, %swap3A_286], %swap3A_289 {strides = array<i32>} : memref<2x128x128xf32, #tpu.memory_space<vmem>>, vector<1x1x16xf32>,
          %get3A_290 = arith.index_cast %rem3A_83 : i32 to index
          %get3A_291 = arith.index_cast %scan3A_243 : i32 to index
          %get3A_292 = arith.constant 48 : index
          %get3A_293 = tpu.vector_load %arg15[%get3A_290, %get3A_291, %get3A_292] {strides = array<i32>} : memref<2x128x128xf32, #tpu.memory_space<vmem>>, vector<1x1x16xf32>,
          %get3A_294 = vector.shape_cast %get3A_293 : vector<1x1x16xf32> to vector<16xf32>
          %mul3A_295 = vector.broadcast %squeeze3A_276 : f32 to vector<16xf32>
          %mul3A_296 = arith.mulf %get3A_294, %mul3A_295 : vector<16xf32>
          %swap3A_297 = arith.index_cast %rem3A_83 : i32 to index
          %swap3A_298 = arith.index_cast %scan3A_243 : i32 to index
          %swap3A_299 = arith.constant 48 : index
          %swap3A_300 = tpu.vector_load %arg15[%swap3A_297, %swap3A_298, %swap3A_299] {strides = array<i32>} : memref<2x128x128xf32, #tpu.memory_space<vmem>>, vector<1x1x16xf32>,
          %swap3A_301 = vector.shape_cast %swap3A_300 : vector<1x1x16xf32> to vector<16xf32>
          %swap3A_302 = vector.shape_cast %mul3A_296 : vector<16xf32> to vector<1x1x16xf32>
          tpu.vector_store %arg15[%swap3A_297, %swap3A_298, %swap3A_299], %swap3A_302 {strides = array<i32>} : memref<2x128x128xf32, #tpu.memory_space<vmem>>, vector<1x1x16xf32>,
          %slice3A_303 = vector.extract_strided_slice %get3A_248 {offsets = [2], sizes = [1], strides = [1]} : vector<16xf32> to vector<1xf32>
          %squeeze3A_304 = vector.extract %slice3A_303[0] : f32 from vector<1xf32>
          %get3A_305 = arith.index_cast %rem3A_83 : i32 to index
          %get3A_306 = arith.index_cast %scan3A_243 : i32 to index
          %get3A_307 = arith.constant 64 : index
          %get3A_308 = tpu.vector_load %arg15[%get3A_305, %get3A_306, %get3A_307] {strides = array<i32>} : memref<2x128x128xf32, #tpu.memory_space<vmem>>, vector<1x1x16xf32>,
          %get3A_309 = vector.shape_cast %get3A_308 : vector<1x1x16xf32> to vector<16xf32>
          %mul3A_310 = vector.broadcast %squeeze3A_304 : f32 to vector<16xf32>
          %mul3A_311 = arith.mulf %get3A_309, %mul3A_310 : vector<16xf32>
          %swap3A_312 = arith.index_cast %rem3A_83 : i32 to index
          %swap3A_313 = arith.index_cast %scan3A_243 : i32 to index
          %swap3A_314 = arith.constant 64 : index
          %swap3A_315 = tpu.vector_load %arg15[%swap3A_312, %swap3A_313, %swap3A_314] {strides = array<i32>} : memref<2x128x128xf32, #tpu.memory_space<vmem>>, vector<1x1x16xf32>,
          %swap3A_316 = vector.shape_cast %swap3A_315 : vector<1x1x16xf32> to vector<16xf32>
          %swap3A_317 = vector.shape_cast %mul3A_311 : vector<16xf32> to vector<1x1x16xf32>
          tpu.vector_store %arg15[%swap3A_312, %swap3A_313, %swap3A_314], %swap3A_317 {strides = array<i32>} : memref<2x128x128xf32, #tpu.memory_space<vmem>>, vector<1x1x16xf32>,
          %get3A_318 = arith.index_cast %rem3A_83 : i32 to index
          %get3A_319 = arith.index_cast %scan3A_243 : i32 to index
          %get3A_320 = arith.constant 80 : index
          %get3A_321 = tpu.vector_load %arg15[%get3A_318, %get3A_319, %get3A_320] {strides = array<i32>} : memref<2x128x128xf32, #tpu.memory_space<vmem>>, vector<1x1x16xf32>,
          %get3A_322 = vector.shape_cast %get3A_321 : vector<1x1x16xf32> to vector<16xf32>
          %mul3A_323 = vector.broadcast %squeeze3A_304 : f32 to vector<16xf32>
          %mul3A_324 = arith.mulf %get3A_322, %mul3A_323 : vector<16xf32>
          %swap3A_325 = arith.index_cast %rem3A_83 : i32 to index
          %swap3A_326 = arith.index_cast %scan3A_243 : i32 to index
          %swap3A_327 = arith.constant 80 : index
          %swap3A_328 = tpu.vector_load %arg15[%swap3A_325, %swap3A_326, %swap3A_327] {strides = array<i32>} : memref<2x128x128xf32, #tpu.memory_space<vmem>>, vector<1x1x16xf32>,
          %swap3A_329 = vector.shape_cast %swap3A_328 : vector<1x1x16xf32> to vector<16xf32>
          %swap3A_330 = vector.shape_cast %mul3A_324 : vector<16xf32> to vector<1x1x16xf32>
          tpu.vector_store %arg15[%swap3A_325, %swap3A_326, %swap3A_327], %swap3A_330 {strides = array<i32>} : memref<2x128x128xf32, #tpu.memory_space<vmem>>, vector<1x1x16xf32>,
          %slice3A_331 = vector.extract_strided_slice %get3A_248 {offsets = [3], sizes = [1], strides = [1]} : vector<16xf32> to vector<1xf32>
          %squeeze3A_332 = vector.extract %slice3A_331[0] : f32 from vector<1xf32>
          %get3A_333 = arith.index_cast %rem3A_83 : i32 to index
          %get3A_334 = arith.index_cast %scan3A_243 : i32 to index
          %get3A_335 = arith.constant 96 : index
          %get3A_336 = tpu.vector_load %arg15[%get3A_333, %get3A_334, %get3A_335] {strides = array<i32>} : memref<2x128x128xf32, #tpu.memory_space<vmem>>, vector<1x1x16xf32>,
          %get3A_337 = vector.shape_cast %get3A_336 : vector<1x1x16xf32> to vector<16xf32>
          %mul3A_338 = vector.broadcast %squeeze3A_332 : f32 to vector<16xf32>
          %mul3A_339 = arith.mulf %get3A_337, %mul3A_338 : vector<16xf32>
          %swap3A_340 = arith.index_cast %rem3A_83 : i32 to index
          %swap3A_341 = arith.index_cast %scan3A_243 : i32 to index
          %swap3A_342 = arith.constant 96 : index
          %swap3A_343 = tpu.vector_load %arg15[%swap3A_340, %swap3A_341, %swap3A_342] {strides = array<i32>} : memref<2x128x128xf32, #tpu.memory_space<vmem>>, vector<1x1x16xf32>,
          %swap3A_344 = vector.shape_cast %swap3A_343 : vector<1x1x16xf32> to vector<16xf32>
          %swap3A_345 = vector.shape_cast %mul3A_339 : vector<16xf32> to vector<1x1x16xf32>
          tpu.vector_store %arg15[%swap3A_340, %swap3A_341, %swap3A_342], %swap3A_345 {strides = array<i32>} : memref<2x128x128xf32, #tpu.memory_space<vmem>>, vector<1x1x16xf32>,
          %get3A_346 = arith.index_cast %rem3A_83 : i32 to index
          %get3A_347 = arith.index_cast %scan3A_243 : i32 to index
          %get3A_348 = arith.constant 112 : index
          %get3A_349 = tpu.vector_load %arg15[%get3A_346, %get3A_347, %get3A_348] {strides = array<i32>} : memref<2x128x128xf32, #tpu.memory_space<vmem>>, vector<1x1x16xf32>,
          %get3A_350 = vector.shape_cast %get3A_349 : vector<1x1x16xf32> to vector<16xf32>
          %mul3A_351 = vector.broadcast %squeeze3A_332 : f32 to vector<16xf32>
          %mul3A_352 = arith.mulf %get3A_350, %mul3A_351 : vector<16xf32>
          %swap3A_353 = arith.index_cast %rem3A_83 : i32 to index
          %swap3A_354 = arith.index_cast %scan3A_243 : i32 to index
          %swap3A_355 = arith.constant 112 : index
          %swap3A_356 = tpu.vector_load %arg15[%swap3A_353, %swap3A_354, %swap3A_355] {strides = array<i32>} : memref<2x128x128xf32, #tpu.memory_space<vmem>>, vector<1x1x16xf32>,
          %swap3A_357 = vector.shape_cast %swap3A_356 : vector<1x1x16xf32> to vector<16xf32>
          %swap3A_358 = vector.shape_cast %mul3A_352 : vector<16xf32> to vector<1x1x16xf32>
          tpu.vector_store %arg15[%swap3A_353, %swap3A_354, %swap3A_355], %swap3A_358 {strides = array<i32>} : memref<2x128x128xf32, #tpu.memory_space<vmem>>, vector<1x1x16xf32>,
          %scan3A_359 = arith.constant 0 : i32
          scf.yield %scan3A_359 : i32
        }
        %scan3A_146 = arith.constant 128 : i32
        %get3A_147 = arith.index_cast %scan3A_78 : i32 to index
        %get3A_148 = arith.constant 0 : index
        %get3A_149 = tpu.vector_load %arg11[%get3A_147, %get3A_148] {strides = array<i32>} : memref<3x128xi32, #tpu.memory_space<vmem>>, vector<1x16xi32>,
        %get3A_150 = vector.shape_cast %get3A_149 : vector<1x16xi32> to vector<16xi32>
        %swap3A = arith.index_cast %rem3A_83 : i32 to index
        %swap3A_151 = arith.constant 0 : index
        %swap3A_152 = tpu.vector_load %arg16[%swap3A, %swap3A_151] {strides = array<i32>} : memref<2x128xi32, #tpu.memory_space<vmem>>, vector<1x16xi32>,
        %swap3A_153 = vector.shape_cast %swap3A_152 : vector<1x16xi32> to vector<16xi32>
        %swap3A_154 = vector.shape_cast %get3A_150 : vector<16xi32> to vector<1x16xi32>
        tpu.vector_store %arg16[%swap3A, %swap3A_151], %swap3A_154 {strides = array<i32>} : memref<2x128xi32, #tpu.memory_space<vmem>>, vector<1x16xi32>,
        %get3A_155 = arith.index_cast %scan3A_78 : i32 to index
        %get3A_156 = arith.constant 16 : index
        %get3A_157 = tpu.vector_load %arg11[%get3A_155, %get3A_156] {strides = array<i32>} : memref<3x128xi32, #tpu.memory_space<vmem>>, vector<1x16xi32>,
        %get3A_158 = vector.shape_cast %get3A_157 : vector<1x16xi32> to vector<16xi32>
        %swap3A_159 = arith.index_cast %rem3A_83 : i32 to index
        %swap3A_160 = arith.constant 16 : index
        %swap3A_161 = tpu.vector_load %arg16[%swap3A_159, %swap3A_160] {strides = array<i32>} : memref<2x128xi32, #tpu.memory_space<vmem>>, vector<1x16xi32>,
        %swap3A_162 = vector.shape_cast %swap3A_161 : vector<1x16xi32> to vector<16xi32>
        %swap3A_163 = vector.shape_cast %get3A_158 : vector<16xi32> to vector<1x16xi32>
        tpu.vector_store %arg16[%swap3A_159, %swap3A_160], %swap3A_163 {strides = array<i32>} : memref<2x128xi32, #tpu.memory_space<vmem>>, vector<1x16xi32>,
        %get3A_164 = arith.index_cast %scan3A_78 : i32 to index
        %get3A_165 = arith.constant 32 : index
        %get3A_166 = tpu.vector_load %arg11[%get3A_164, %get3A_165] {strides = array<i32>} : memref<3x128xi32, #tpu.memory_space<vmem>>, vector<1x16xi32>,
        %get3A_167 = vector.shape_cast %get3A_166 : vector<1x16xi32> to vector<16xi32>
        %swap3A_168 = arith.index_cast %rem3A_83 : i32 to index
        %swap3A_169 = arith.constant 32 : index
        %swap3A_170 = tpu.vector_load %arg16[%swap3A_168, %swap3A_169] {strides = array<i32>} : memref<2x128xi32, #tpu.memory_space<vmem>>, vector<1x16xi32>,
        %swap3A_171 = vector.shape_cast %swap3A_170 : vector<1x16xi32> to vector<16xi32>
        %swap3A_172 = vector.shape_cast %get3A_167 : vector<16xi32> to vector<1x16xi32>
        tpu.vector_store %arg16[%swap3A_168, %swap3A_169], %swap3A_172 {strides = array<i32>} : memref<2x128xi32, #tpu.memory_space<vmem>>, vector<1x16xi32>,
        %get3A_173 = arith.index_cast %scan3A_78 : i32 to index
        %get3A_174 = arith.constant 48 : index
        %get3A_175 = tpu.vector_load %arg11[%get3A_173, %get3A_174] {strides = array<i32>} : memref<3x128xi32, #tpu.memory_space<vmem>>, vector<1x16xi32>,
        %get3A_176 = vector.shape_cast %get3A_175 : vector<1x16xi32> to vector<16xi32>
        %swap3A_177 = arith.index_cast %rem3A_83 : i32 to index
        %swap3A_178 = arith.constant 48 : index
        %swap3A_179 = tpu.vector_load %arg16[%swap3A_177, %swap3A_178] {strides = array<i32>} : memref<2x128xi32, #tpu.memory_space<vmem>>, vector<1x16xi32>,
        %swap3A_180 = vector.shape_cast %swap3A_179 : vector<1x16xi32> to vector<16xi32>
        %swap3A_181 = vector.shape_cast %get3A_176 : vector<16xi32> to vector<1x16xi32>
        tpu.vector_store %arg16[%swap3A_177, %swap3A_178], %swap3A_181 {strides = array<i32>} : memref<2x128xi32, #tpu.memory_space<vmem>>, vector<1x16xi32>,
        %get3A_182 = arith.index_cast %scan3A_78 : i32 to index
        %get3A_183 = arith.constant 64 : index
        %get3A_184 = tpu.vector_load %arg11[%get3A_182, %get3A_183] {strides = array<i32>} : memref<3x128xi32, #tpu.memory_space<vmem>>, vector<1x16xi32>,
        %get3A_185 = vector.shape_cast %get3A_184 : vector<1x16xi32> to vector<16xi32>
        %swap3A_186 = arith.index_cast %rem3A_83 : i32 to index
        %swap3A_187 = arith.constant 64 : index
        %swap3A_188 = tpu.vector_load %arg16[%swap3A_186, %swap3A_187] {strides = array<i32>} : memref<2x128xi32, #tpu.memory_space<vmem>>, vector<1x16xi32>,
        %swap3A_189 = vector.shape_cast %swap3A_188 : vector<1x16xi32> to vector<16xi32>
        %swap3A_190 = vector.shape_cast %get3A_185 : vector<16xi32> to vector<1x16xi32>
        tpu.vector_store %arg16[%swap3A_186, %swap3A_187], %swap3A_190 {strides = array<i32>} : memref<2x128xi32, #tpu.memory_space<vmem>>, vector<1x16xi32>,
        %get3A_191 = arith.index_cast %scan3A_78 : i32 to index
        %get3A_192 = arith.constant 80 : index
        %get3A_193 = tpu.vector_load %arg11[%get3A_191, %get3A_192] {strides = array<i32>} : memref<3x128xi32, #tpu.memory_space<vmem>>, vector<1x16xi32>,
        %get3A_194 = vector.shape_cast %get3A_193 : vector<1x16xi32> to vector<16xi32>
        %swap3A_195 = arith.index_cast %rem3A_83 : i32 to index
        %swap3A_196 = arith.constant 80 : index
        %swap3A_197 = tpu.vector_load %arg16[%swap3A_195, %swap3A_196] {strides = array<i32>} : memref<2x128xi32, #tpu.memory_space<vmem>>, vector<1x16xi32>,
        %swap3A_198 = vector.shape_cast %swap3A_197 : vector<1x16xi32> to vector<16xi32>
        %swap3A_199 = vector.shape_cast %get3A_194 : vector<16xi32> to vector<1x16xi32>
        tpu.vector_store %arg16[%swap3A_195, %swap3A_196], %swap3A_199 {strides = array<i32>} : memref<2x128xi32, #tpu.memory_space<vmem>>, vector<1x16xi32>,
        %get3A_200 = arith.index_cast %scan3A_78 : i32 to index
        %get3A_201 = arith.constant 96 : index
        %get3A_202 = tpu.vector_load %arg11[%get3A_200, %get3A_201] {strides = array<i32>} : memref<3x128xi32, #tpu.memory_space<vmem>>, vector<1x16xi32>,
        %get3A_203 = vector.shape_cast %get3A_202 : vector<1x16xi32> to vector<16xi32>
        %swap3A_204 = arith.index_cast %rem3A_83 : i32 to index
        %swap3A_205 = arith.constant 96 : index
        %swap3A_206 = tpu.vector_load %arg16[%swap3A_204, %swap3A_205] {strides = array<i32>} : memref<2x128xi32, #tpu.memory_space<vmem>>, vector<1x16xi32>,
        %swap3A_207 = vector.shape_cast %swap3A_206 : vector<1x16xi32> to vector<16xi32>
        %swap3A_208 = vector.shape_cast %get3A_203 : vector<16xi32> to vector<1x16xi32>
        tpu.vector_store %arg16[%swap3A_204, %swap3A_205], %swap3A_208 {strides = array<i32>} : memref<2x128xi32, #tpu.memory_space<vmem>>, vector<1x16xi32>,
        %get3A_209 = arith.index_cast %scan3A_78 : i32 to index
        %get3A_210 = arith.constant 112 : index
        %get3A_211 = tpu.vector_load %arg11[%get3A_209, %get3A_210] {strides = array<i32>} : memref<3x128xi32, #tpu.memory_space<vmem>>, vector<1x16xi32>,
        %get3A_212 = vector.shape_cast %get3A_211 : vector<1x16xi32> to vector<16xi32>
        %swap3A_213 = arith.index_cast %rem3A_83 : i32 to index
        %swap3A_214 = arith.constant 112 : index
        %swap3A_215 = tpu.vector_load %arg16[%swap3A_213, %swap3A_214] {strides = array<i32>} : memref<2x128xi32, #tpu.memory_space<vmem>>, vector<1x16xi32>,
        %swap3A_216 = vector.shape_cast %swap3A_215 : vector<1x16xi32> to vector<16xi32>
        %swap3A_217 = vector.shape_cast %get3A_212 : vector<16xi32> to vector<1x16xi32>
        tpu.vector_store %arg16[%swap3A_213, %swap3A_214], %swap3A_217 {strides = array<i32>} : memref<2x128xi32, #tpu.memory_space<vmem>>, vector<1x16xi32>,
        %dma_start3A_218 = arith.constant 0 : i32
        %dma_start3A_219 = tpu.memref_slice %arg11[%scan3A_78, %dma_start3A_218] : memref<3x128xi32, #tpu.memory_space<vmem>> -> memref<1x128xi32, #tpu.memory_space<vmem>>
        %dma_start3A_220 = tpu.memref_squeeze %dma_start3A_219 : memref<1x128xi32, #tpu.memory_space<vmem>> -> memref<128xi32, #tpu.memory_space<vmem>>
        %dma_start3A_221 = arith.constant 0 : i32
        %dma_start3A_222 = arith.constant 0 : i32
        %dma_start3A_223 = tpu.memref_slice %arg19[%dma_start3A_221, %dma_start3A_222] : memref<10112x16xf32, #tpu.memory_space<vmem_shared>> -> memref<10112x16xf32, #tpu.memory_space<vmem_shared>>
        tpu.enqueue_indirect_dma source(%arg14 : memref<128x16xf32, #tpu.memory_space<vmem>>) target(%dma_start3A_223 : memref<10112x16xf32, #tpu.memory_space<vmem_shared>>) offsets(%dma_start3A_220 : memref<128xi32, #tpu.memory_space<vmem>>) semaphore(%arg21 : memref<!tpu.dma_semaphore, #tpu.memory_space<semaphore_mem>>) {add = true}
        %dma_start3A_224 = arith.constant 0 : i32
        %dma_start3A_225 = arith.constant 0 : i32
        %dma_start3A_226 = tpu.memref_slice %arg15[%rem3A_83, %dma_start3A_224, %dma_start3A_225] : memref<2x128x128xf32, #tpu.memory_space<vmem>> -> memref<1x128x128xf32, #tpu.memory_space<vmem>>
        %dma_start3A_227 = tpu.memref_squeeze %dma_start3A_226 : memref<1x128x128xf32, #tpu.memory_space<vmem>> -> memref<128x128xf32, #tpu.memory_space<vmem>>
        %dma_start3A_228 = arith.constant 0 : i32
        %dma_start3A_229 = tpu.memref_slice %arg16[%rem3A_83, %dma_start3A_228] : memref<2x128xi32, #tpu.memory_space<vmem>> -> memref<1x128xi32, #tpu.memory_space<vmem>>
        %dma_start3A_230 = tpu.memref_squeeze %dma_start3A_229 : memref<1x128xi32, #tpu.memory_space<vmem>> -> memref<128xi32, #tpu.memory_space<vmem>>
        %dma_start3A_231 = arith.constant 0 : i32
        %dma_start3A_232 = arith.constant 0 : i32
        %dma_start3A_233 = tpu.memref_slice %arg18[%dma_start3A_231, %dma_start3A_232] : memref<10112x128xf32, #tpu.memory_space<vmem_shared>> -> memref<10112x128xf32, #tpu.memory_space<vmem_shared>>
        %dma_start3A_234 = tpu.memref_slice %arg23[%rem3A_83] : memref<2x!tpu.dma_semaphore, #tpu.memory_space<semaphore_mem>> -> memref<1x!tpu.dma_semaphore, #tpu.memory_space<semaphore_mem>>
        %dma_start3A_235 = tpu.memref_squeeze %dma_start3A_234 : memref<1x!tpu.dma_semaphore, #tpu.memory_space<semaphore_mem>> -> memref<!tpu.dma_semaphore, #tpu.memory_space<semaphore_mem>>
        tpu.enqueue_indirect_dma source(%dma_start3A_227 : memref<128x128xf32, #tpu.memory_space<vmem>>) target(%dma_start3A_233 : memref<10112x128xf32, #tpu.memory_space<vmem_shared>>) offsets(%dma_start3A_230 : memref<128xi32, #tpu.memory_space<vmem>>) semaphore(%dma_start3A_235 : memref<!tpu.dma_semaphore, #tpu.memory_space<semaphore_mem>>) {add = true}
        %dma_wait3A_236 = arith.constant 0 : i32
        %dma_wait3A_237 = tpu.memref_slice %arg11[%scan3A_78, %dma_wait3A_236] : memref<3x128xi32, #tpu.memory_space<vmem>> -> memref<1x128xi32, #tpu.memory_space<vmem>>
        %dma_wait3A_238 = tpu.memref_squeeze %dma_wait3A_237 : memref<1x128xi32, #tpu.memory_space<vmem>> -> memref<128xi32, #tpu.memory_space<vmem>>
        %dma_wait3A_239 = arith.constant 0 : i32
        %dma_wait3A_240 = arith.constant 0 : i32
        %dma_wait3A_241 = tpu.memref_slice %arg19[%dma_wait3A_239, %dma_wait3A_240] : memref<10112x16xf32, #tpu.memory_space<vmem_shared>> -> memref<10112x16xf32, #tpu.memory_space<vmem_shared>>
        tpu.wait_indirect_dma semaphore(%arg21 : memref<!tpu.dma_semaphore, #tpu.memory_space<semaphore_mem>>) src(%arg14 : memref<128x16xf32, #tpu.memory_space<vmem>>) dst(%dma_wait3A_241 : memref<10112x16xf32, #tpu.memory_space<vmem_shared>>)
        %scan3A_242 = arith.constant 0 : i32
        scf.yield %scan3A_242 : i32
      }
      %scan3A_76 = arith.constant 3 : i32
      %scan3A_77 = arith.constant 0 : i32
      scf.yield %scan3A_77 : i32
    }
    %scan3A_32 = arith.constant 27 : i32
    %dma_wait3A = arith.constant 0 : i32
    %dma_wait3A_33 = arith.constant 0 : i32
    %dma_wait3A_34 = arith.constant 0 : i32
    %dma_wait3A_35 = arith.constant 0 : i32
    %dma_wait3A_36 = arith.constant 0 : i32
    %dma_wait3A_37 = tpu.memref_slice %arg15[%dma_wait3A, %dma_wait3A_35, %dma_wait3A_36] : memref<2x128x128xf32, #tpu.memory_space<vmem>> -> memref<1x128x128xf32, #tpu.memory_space<vmem>>
    %dma_wait3A_38 = tpu.memref_squeeze %dma_wait3A_37 : memref<1x128x128xf32, #tpu.memory_space<vmem>> -> memref<128x128xf32, #tpu.memory_space<vmem>>
    %dma_wait3A_39 = arith.constant 0 : i32
    %dma_wait3A_40 = tpu.memref_slice %arg16[%dma_wait3A_33, %dma_wait3A_39] : memref<2x128xi32, #tpu.memory_space<vmem>> -> memref<1x128xi32, #tpu.memory_space<vmem>>
    %dma_wait3A_41 = tpu.memref_squeeze %dma_wait3A_40 : memref<1x128xi32, #tpu.memory_space<vmem>> -> memref<128xi32, #tpu.memory_space<vmem>>
    %dma_wait3A_42 = arith.constant 0 : i32
    %dma_wait3A_43 = arith.constant 0 : i32
    %dma_wait3A_44 = tpu.memref_slice %arg18[%dma_wait3A_42, %dma_wait3A_43] : memref<10112x128xf32, #tpu.memory_space<vmem_shared>> -> memref<10112x128xf32, #tpu.memory_space<vmem_shared>>
    %dma_wait3A_45 = tpu.memref_slice %arg23[%dma_wait3A_34] : memref<2x!tpu.dma_semaphore, #tpu.memory_space<semaphore_mem>> -> memref<1x!tpu.dma_semaphore, #tpu.memory_space<semaphore_mem>>
    %dma_wait3A_46 = tpu.memref_squeeze %dma_wait3A_45 : memref<1x!tpu.dma_semaphore, #tpu.memory_space<semaphore_mem>> -> memref<!tpu.dma_semaphore, #tpu.memory_space<semaphore_mem>>
    tpu.wait_indirect_dma semaphore(%dma_wait3A_46 : memref<!tpu.dma_semaphore, #tpu.memory_space<semaphore_mem>>) src(%dma_wait3A_38 : memref<128x128xf32, #tpu.memory_space<vmem>>) dst(%dma_wait3A_44 : memref<10112x128xf32, #tpu.memory_space<vmem_shared>>)
    %dma_wait3A_47 = arith.constant 1 : i32
    %dma_wait3A_48 = arith.constant 1 : i32
    %dma_wait3A_49 = arith.constant 1 : i32
    %dma_wait3A_50 = arith.constant 0 : i32
    %dma_wait3A_51 = arith.constant 0 : i32
    %dma_wait3A_52 = tpu.memref_slice %arg15[%dma_wait3A_47, %dma_wait3A_50, %dma_wait3A_51] : memref<2x128x128xf32, #tpu.memory_space<vmem>> -> memref<1x128x128xf32, #tpu.memory_space<vmem>>
    %dma_wait3A_53 = tpu.memref_squeeze %dma_wait3A_52 : memref<1x128x128xf32, #tpu.memory_space<vmem>> -> memref<128x128xf32, #tpu.memory_space<vmem>>
    %dma_wait3A_54 = arith.constant 0 : i32
    %dma_wait3A_55 = tpu.memref_slice %arg16[%dma_wait3A_48, %dma_wait3A_54] : memref<2x128xi32, #tpu.memory_space<vmem>> -> memref<1x128xi32, #tpu.memory_space<vmem>>
    %dma_wait3A_56 = tpu.memref_squeeze %dma_wait3A_55 : memref<1x128xi32, #tpu.memory_space<vmem>> -> memref<128xi32, #tpu.memory_space<vmem>>
    %dma_wait3A_57 = arith.constant 0 : i32
    %dma_wait3A_58 = arith.constant 0 : i32
    %dma_wait3A_59 = tpu.memref_slice %arg18[%dma_wait3A_57, %dma_wait3A_58] : memref<10112x128xf32, #tpu.memory_space<vmem_shared>> -> memref<10112x128xf32, #tpu.memory_space<vmem_shared>>
    %dma_wait3A_60 = tpu.memref_slice %arg23[%dma_wait3A_49] : memref<2x!tpu.dma_semaphore, #tpu.memory_space<semaphore_mem>> -> memref<1x!tpu.dma_semaphore, #tpu.memory_space<semaphore_mem>>
    %dma_wait3A_61 = tpu.memref_squeeze %dma_wait3A_60 : memref<1x!tpu.dma_semaphore, #tpu.memory_space<semaphore_mem>> -> memref<!tpu.dma_semaphore, #tpu.memory_space<semaphore_mem>>
    tpu.wait_indirect_dma semaphore(%dma_wait3A_61 : memref<!tpu.dma_semaphore, #tpu.memory_space<semaphore_mem>>) src(%dma_wait3A_53 : memref<128x128xf32, #tpu.memory_space<vmem>>) dst(%dma_wait3A_59 : memref<10112x128xf32, #tpu.memory_space<vmem_shared>>)
    %barrier3A_62 = arith.constant 0 : index
    tpu.barrier barrier_id(%barrier3A_62)
    "tpu.region"() ({
      %run_scoped3A_63 = tpu.sem_alloc : memref<!tpu.dma_semaphore, #tpu.memory_space<semaphore_mem>>
      %dma_start3A = arith.constant 0 : i32
      %dma_start3A_64 = tpu.memref_slice %arg8[%arg0, %mul3A_9, %dma_start3A] : memref<2x10112x128xf32, #tpu.memory_space<hbm>> -> memref<1x632x128xf32, #tpu.memory_space<hbm>>
      %dma_start3A_65 = tpu.memref_squeeze %dma_start3A_64 : memref<1x632x128xf32, #tpu.memory_space<hbm>> -> memref<632x128xf32, #tpu.memory_space<hbm>>
      %dma_start3A_66 = arith.constant 0 : i32
      %dma_start3A_67 = tpu.memref_slice %arg18[%mul3A_9, %dma_start3A_66] : memref<10112x128xf32, #tpu.memory_space<vmem_shared>> -> memref<632x128xf32, #tpu.memory_space<vmem_shared>>
      tpu.enqueue_dma source(%dma_start3A_67 : memref<632x128xf32, #tpu.memory_space<vmem_shared>>) target(%dma_start3A_65 : memref<632x128xf32, #tpu.memory_space<hbm>>) target_semaphore(%run_scoped3A_63 : memref<!tpu.dma_semaphore, #tpu.memory_space<semaphore_mem>>)
      %dma_wait3A_68 = arith.constant 0 : i32
      %dma_wait3A_69 = tpu.memref_slice %arg8[%arg0, %mul3A_9, %dma_wait3A_68] : memref<2x10112x128xf32, #tpu.memory_space<hbm>> -> memref<1x632x128xf32, #tpu.memory_space<hbm>>
      %dma_wait3A_70 = tpu.memref_squeeze %dma_wait3A_69 : memref<1x632x128xf32, #tpu.memory_space<hbm>> -> memref<632x128xf32, #tpu.memory_space<hbm>>
      %dma_wait3A_71 = arith.constant 0 : i32
      %dma_wait3A_72 = tpu.memref_slice %arg18[%mul3A_9, %dma_wait3A_71] : memref<10112x128xf32, #tpu.memory_space<vmem_shared>> -> memref<632x128xf32, #tpu.memory_space<vmem_shared>>
      tpu.wait_dma2 semaphore(%run_scoped3A_63 : memref<!tpu.dma_semaphore, #tpu.memory_space<semaphore_mem>>) src(%dma_wait3A_72 : memref<632x128xf32, #tpu.memory_space<vmem_shared>>) dst(%dma_wait3A_70 : memref<632x128xf32, #tpu.memory_space<hbm>>)
      tpu.yield
    }) : () -> ()
    "tpu.region"() ({
      %run_scoped3A_63 = tpu.sem_alloc : memref<!tpu.dma_semaphore, #tpu.memory_space<semaphore_mem>>
      %dma_start3A = arith.constant 0 : i32
      %dma_start3A_64 = tpu.memref_slice %arg9[%arg0, %mul3A_9, %dma_start3A] : memref<2x10112x16xf32, #tpu.memory_space<hbm>> -> memref<1x632x16xf32, #tpu.memory_space<hbm>>
      %dma_start3A_65 = tpu.memref_squeeze %dma_start3A_64 : memref<1x632x16xf32, #tpu.memory_space<hbm>> -> memref<632x16xf32, #tpu.memory_space<hbm>>
      %dma_start3A_66 = arith.constant 0 : i32
      %dma_start3A_67 = tpu.memref_slice %arg19[%mul3A_9, %dma_start3A_66] : memref<10112x16xf32, #tpu.memory_space<vmem_shared>> -> memref<632x16xf32, #tpu.memory_space<vmem_shared>>
      tpu.enqueue_dma source(%dma_start3A_67 : memref<632x16xf32, #tpu.memory_space<vmem_shared>>) target(%dma_start3A_65 : memref<632x16xf32, #tpu.memory_space<hbm>>) target_semaphore(%run_scoped3A_63 : memref<!tpu.dma_semaphore, #tpu.memory_space<semaphore_mem>>)
      %dma_wait3A_68 = arith.constant 0 : i32
      %dma_wait3A_69 = tpu.memref_slice %arg9[%arg0, %mul3A_9, %dma_wait3A_68] : memref<2x10112x16xf32, #tpu.memory_space<hbm>> -> memref<1x632x16xf32, #tpu.memory_space<hbm>>
      %dma_wait3A_70 = tpu.memref_squeeze %dma_wait3A_69 : memref<1x632x16xf32, #tpu.memory_space<hbm>> -> memref<632x16xf32, #tpu.memory_space<hbm>>
      %dma_wait3A_71 = arith.constant 0 : i32
      %dma_wait3A_72 = tpu.memref_slice %arg19[%mul3A_9, %dma_wait3A_71] : memref<10112x16xf32, #tpu.memory_space<vmem_shared>> -> memref<632x16xf32, #tpu.memory_space<vmem_shared>>
      tpu.wait_dma2 semaphore(%run_scoped3A_63 : memref<!tpu.dma_semaphore, #tpu.memory_space<semaphore_mem>>) src(%dma_wait3A_72 : memref<632x16xf32, #tpu.memory_space<vmem_shared>>) dst(%dma_wait3A_70 : memref<632x16xf32, #tpu.memory_space<hbm>>)
      tpu.yield
    }) : () -> ()
    return
  }
}

module attributes {stable_mosaic.version = 14 : i64} {
  func.func @_pre_body(%arg0: i32, %arg1: memref<1000x128xf32, #tpu.memory_space<vmem>>, %arg2: memref<128x128xf32, #tpu.memory_space<vmem>>, %arg3: memref<128x8xf32, #tpu.memory_space<vmem>>, %arg4: memref<1000x128xf32, #tpu.memory_space<vmem>>, %arg5: memref<1000x16xf32, #tpu.memory_space<vmem>>, %arg6: memref<1000x16xf32, #tpu.memory_space<vmem>>, %arg7: memref<1x1x8xf32, #tpu.memory_space<vmem>>) attributes {dimension_semantics = [#tpu.dimension_semantics<arbitrary>], iteration_bounds = array<i64: 10>, scalar_prefetch = 0 : i64, scratch_operands = 0 : i64, tpu.core_type = #tpu.core_type<tc>, window_params = [{transform_indices = @transform_0, window_bounds = array<i64: 1000, 128>}, {pipeline_mode = #tpu.pipeline_mode<synchronous>, transform_indices = @transform_1, window_bounds = array<i64: 128, 128>}, {pipeline_mode = #tpu.pipeline_mode<synchronous>, transform_indices = @transform_2, window_bounds = array<i64: 128, 8>}, {transform_indices = @transform_3, window_bounds = array<i64: 1000, 128>}, {transform_indices = @transform_4, window_bounds = array<i64: 1000, 16>}, {transform_indices = @transform_5, window_bounds = array<i64: 1000, 16>}, {transform_indices = @transform_6, window_bounds = array<i64: 1, 1, 8>}]} {
    %get3A = arith.constant 0 : index
    %get3A_0 = arith.constant 0 : index
    %get3A_1 = vector.load %arg1[%get3A, %get3A_0] : memref<1000x128xf32, #tpu.memory_space<vmem>>, vector<1000x128xf32>
    %get3A_2 = arith.constant 0 : index
    %get3A_3 = arith.constant 0 : index
    %get3A_4 = vector.load %arg2[%get3A_2, %get3A_3] : memref<128x128xf32, #tpu.memory_space<vmem>>, vector<128x128xf32>
    %dot_general3A = arith.constant dense<0.000000e+00> : vector<1000x128xf32>
    %dot_general3A_5 = tpu.matmul %get3A_1, %get3A_4, %dot_general3A {dimension_numbers = #tpu.dot_dimension_numbers<[1], [0], [0], [1], [0, 0, 1, 1], [], []>, transpose_lhs_hint = false} : vector<1000x128xf32>, vector<128x128xf32>, vector<1000x128xf32> -> vector<1000x128xf32>
    %swap3A = arith.constant 0 : index
    %swap3A_6 = arith.constant 0 : index
    %swap3A_7 = vector.load %arg4[%swap3A, %swap3A_6] : memref<1000x128xf32, #tpu.memory_space<vmem>>, vector<1000x128xf32>
    tpu.vector_store %arg4[%swap3A, %swap3A_6], %dot_general3A_5 {strides = array<i32>} : memref<1000x128xf32, #tpu.memory_space<vmem>>, vector<1000x128xf32>,
    %get3A_8 = arith.constant 0 : index
    %get3A_9 = arith.constant 0 : index
    %get3A_10 = vector.load %arg3[%get3A_8, %get3A_9] : memref<128x8xf32, #tpu.memory_space<vmem>>, vector<128x8xf32>
    %dot_general3A_11 = arith.constant dense<0.000000e+00> : vector<1000x8xf32>
    %dot_general3A_12 = tpu.matmul %dot_general3A_5, %get3A_10, %dot_general3A_11 {dimension_numbers = #tpu.dot_dimension_numbers<[1], [0], [0], [1], [0, 0, 1, 1], [], []>, transpose_lhs_hint = false} : vector<1000x128xf32>, vector<128x8xf32>, vector<1000x8xf32> -> vector<1000x8xf32>
    %broadcast_in_dim3A = arith.constant 0.000000e+00 : f32
    %broadcast_in_dim3A_13 = vector.broadcast %broadcast_in_dim3A : f32 to vector<1000x12xf32>
    %slice3A = vector.extract_strided_slice %dot_general3A_12 {offsets = [0, 0], sizes = [1000, 4], strides = [1, 1]} : vector<1000x8xf32> to vector<1000x4xf32>
    %concatenate3A = tpu.concatenate %slice3A, %broadcast_in_dim3A_13 in 1 : vector<1000x4xf32>, vector<1000x12xf32> -> vector<1000x16xf32>
    %swap3A_14 = arith.constant 0 : index
    %swap3A_15 = arith.constant 0 : index
    %swap3A_16 = vector.load %arg5[%swap3A_14, %swap3A_15] : memref<1000x16xf32, #tpu.memory_space<vmem>>, vector<1000x16xf32>
    tpu.vector_store %arg5[%swap3A_14, %swap3A_15], %concatenate3A {strides = array<i32>} : memref<1000x16xf32, #tpu.memory_space<vmem>>, vector<1000x16xf32>,
    %slice3A_17 = vector.extract_strided_slice %dot_general3A_12 {offsets = [0, 4], sizes = [1000, 4], strides = [1, 1]} : vector<1000x8xf32> to vector<1000x4xf32>
    %concatenate3A_18 = tpu.concatenate %slice3A_17, %broadcast_in_dim3A_13 in 1 : vector<1000x4xf32>, vector<1000x12xf32> -> vector<1000x16xf32>
    %swap3A_19 = arith.constant 0 : index
    %swap3A_20 = arith.constant 0 : index
    %swap3A_21 = vector.load %arg6[%swap3A_19, %swap3A_20] : memref<1000x16xf32, #tpu.memory_space<vmem>>, vector<1000x16xf32>
    tpu.vector_store %arg6[%swap3A_19, %swap3A_20], %concatenate3A_18 {strides = array<i32>} : memref<1000x16xf32, #tpu.memory_space<vmem>>, vector<1000x16xf32>,
    %iota3A = tpu.iota {dimensions = array<i32: 1>} : vector<1000x8xi32>
    %lt3A = arith.constant 4 : i32
    %lt3A_22 = vector.broadcast %lt3A : i32 to vector<1000x8xi32>
    %lt3A_23 = arith.cmpi slt, %iota3A, %lt3A_22 : vector<1000x8xi32>
    %jit3A = arith.constant -1.000000e+30 : f32
    %broadcast_in_dim3A_24 = vector.broadcast %jit3A : f32 to vector<1000x8xf32>
    %select_n3A = arith.select %lt3A_23, %dot_general3A_12, %broadcast_in_dim3A_24 : vector<1000x8xi1>, vector<1000x8xf32>
    %reduce_max3A = arith.constant dense<0xFF800000> : vector<8xf32>
    %reduce_max3A_25 = vector.multi_reduction <maximumf>, %select_n3A, %reduce_max3A [0] : vector<1000x8xf32> to vector<8xf32>
    %broadcast_in_dim3A_26 = vector.shape_cast %reduce_max3A_25 : vector<8xf32> to vector<1x8xf32>
    %reshape3A = vector.shape_cast %broadcast_in_dim3A_26 : vector<1x8xf32> to vector<1x1x8xf32>
    %swap3A_27 = arith.constant 0 : index
    %swap3A_28 = arith.constant 0 : index
    %swap3A_29 = arith.constant 0 : index
    %swap3A_30 = vector.load %arg7[%swap3A_27, %swap3A_28, %swap3A_29] : memref<1x1x8xf32, #tpu.memory_space<vmem>>, vector<1x1x8xf32>
    tpu.vector_store %arg7[%swap3A_27, %swap3A_28, %swap3A_29], %reshape3A {strides = array<i32>} : memref<1x1x8xf32, #tpu.memory_space<vmem>>, vector<1x1x8xf32>,
    return
  }
  func.func @transform_0(%arg0: i32) -> (i32, i32) {
    %c0_i32 = arith.constant 0 : i32
    %c0_i32_0 = arith.constant 0 : i32
    return %arg0, %c0_i32 : i32, i32
  }
  func.func @transform_1(%arg0: i32) -> (i32, i32) {
    %c0_i32 = arith.constant 0 : i32
    %c0_i32_0 = arith.constant 0 : i32
    %c0_i32_1 = arith.constant 0 : i32
    return %c0_i32, %c0_i32_0 : i32, i32
  }
  func.func @transform_2(%arg0: i32) -> (i32, i32) {
    %c0_i32 = arith.constant 0 : i32
    %c0_i32_0 = arith.constant 0 : i32
    %c0_i32_1 = arith.constant 0 : i32
    return %c0_i32, %c0_i32_0 : i32, i32
  }
  func.func @transform_3(%arg0: i32) -> (i32, i32) {
    %c0_i32 = arith.constant 0 : i32
    %c0_i32_0 = arith.constant 0 : i32
    return %arg0, %c0_i32 : i32, i32
  }
  func.func @transform_4(%arg0: i32) -> (i32, i32) {
    %c0_i32 = arith.constant 0 : i32
    %c0_i32_0 = arith.constant 0 : i32
    return %arg0, %c0_i32 : i32, i32
  }
  func.func @transform_5(%arg0: i32) -> (i32, i32) {
    %c0_i32 = arith.constant 0 : i32
    %c0_i32_0 = arith.constant 0 : i32
    return %arg0, %c0_i32 : i32, i32
  }
  func.func @transform_6(%arg0: i32) -> (i32, i32, i32) {
    %c0_i32 = arith.constant 0 : i32
    %c0_i32_0 = arith.constant 0 : i32
    %c0_i32_1 = arith.constant 0 : i32
    return %arg0, %c0_i32, %c0_i32_0 : i32, i32, i32
  }
}

module attributes {stable_mosaic.version = 14 : i64} {
  func.func @_post_body(%arg0: i32, %arg1: memref<2x1000x128xf32, #tpu.memory_space<vmem>>, %arg2: memref<2x1000x16xf32, #tpu.memory_space<vmem>>, %arg3: memref<1x128xf32, #tpu.memory_space<vmem>>, %arg4: memref<1000x128xf32, #tpu.memory_space<vmem>>) attributes {dimension_semantics = [#tpu.dimension_semantics<arbitrary>], iteration_bounds = array<i64: 10>, scalar_prefetch = 0 : i64, scratch_operands = 0 : i64, tpu.core_type = #tpu.core_type<tc>, window_params = [{transform_indices = @transform_0, window_bounds = array<i64: 2, 1000, 128>}, {transform_indices = @transform_1, window_bounds = array<i64: 2, 1000, 16>}, {pipeline_mode = #tpu.pipeline_mode<synchronous>, transform_indices = @transform_2, window_bounds = array<i64: 1, 128>}, {transform_indices = @transform_3, window_bounds = array<i64: 1000, 128>}]} {
    %get3A = arith.constant 0 : index
    %get3A_0 = arith.constant 0 : index
    %get3A_1 = arith.constant 0 : index
    %get3A_2 = vector.load %arg1[%get3A, %get3A_0, %get3A_1] : memref<2x1000x128xf32, #tpu.memory_space<vmem>>, vector<1x1000x128xf32>
    %get3A_3 = vector.shape_cast %get3A_2 : vector<1x1000x128xf32> to vector<1000x128xf32>
    %get3A_4 = arith.constant 1 : index
    %get3A_5 = arith.constant 0 : index
    %get3A_6 = arith.constant 0 : index
    %get3A_7 = vector.load %arg1[%get3A_4, %get3A_5, %get3A_6] : memref<2x1000x128xf32, #tpu.memory_space<vmem>>, vector<1x1000x128xf32>
    %get3A_8 = vector.shape_cast %get3A_7 : vector<1x1000x128xf32> to vector<1000x128xf32>
    %add3A = arith.addf %get3A_3, %get3A_8 : vector<1000x128xf32>
    %get3A_9 = arith.constant 0 : index
    %get3A_10 = arith.constant 0 : index
    %get3A_11 = arith.constant 0 : index
    %get3A_12 = vector.load %arg2[%get3A_9, %get3A_10, %get3A_11] : memref<2x1000x16xf32, #tpu.memory_space<vmem>>, vector<1x1000x16xf32>
    %get3A_13 = vector.shape_cast %get3A_12 : vector<1x1000x16xf32> to vector<1000x16xf32>
    %slice3A = vector.extract_strided_slice %get3A_13 {offsets = [0, 0], sizes = [1000, 4], strides = [1, 1]} : vector<1000x16xf32> to vector<1000x4xf32>
    %get3A_14 = arith.constant 1 : index
    %get3A_15 = arith.constant 0 : index
    %get3A_16 = arith.constant 0 : index
    %get3A_17 = vector.load %arg2[%get3A_14, %get3A_15, %get3A_16] : memref<2x1000x16xf32, #tpu.memory_space<vmem>>, vector<1x1000x16xf32>
    %get3A_18 = vector.shape_cast %get3A_17 : vector<1x1000x16xf32> to vector<1000x16xf32>
    %slice3A_19 = vector.extract_strided_slice %get3A_18 {offsets = [0, 0], sizes = [1000, 4], strides = [1, 1]} : vector<1000x16xf32> to vector<1000x4xf32>
    %add3A_20 = arith.addf %slice3A, %slice3A_19 : vector<1000x4xf32>
    %max3A = arith.constant 1.000000e-10 : f32
    %max3A_21 = vector.broadcast %max3A : f32 to vector<1000x4xf32>
    %max3A_22 = arith.maximumf %add3A_20, %max3A_21 : vector<1000x4xf32>
    %div3A = arith.constant 1.000000e+00 : f32
    %div3A_23 = vector.broadcast %div3A : f32 to vector<1000x4xf32>
    %div3A_24 = arith.divf %div3A_23, %max3A_22 : vector<1000x4xf32>
    %iota3A = tpu.iota {dimensions = array<i32: 0>} : vector<4x128xi32>
    %iota3A_25 = tpu.iota {dimensions = array<i32: 1>} : vector<4x128xi32>
    %jit3A = arith.constant 32 : i32
    %div3A_26 = vector.broadcast %jit3A : i32 to vector<4x128xi32>
    %div3A_27 = arith.divsi %iota3A_25, %div3A_26 : vector<4x128xi32>
    %sign3A = arith.constant 0 : i32
    %sign3A_28 = vector.broadcast %sign3A : i32 to vector<4x128xi32>
    %sign3A_29 = arith.cmpi sgt, %iota3A_25, %sign3A_28 : vector<4x128xi32>
    %sign3A_30 = arith.extui %sign3A_29 : vector<4x128xi1> to vector<4x128xi32>
    %sign3A_31 = arith.constant 0 : i32
    %sign3A_32 = vector.broadcast %sign3A_31 : i32 to vector<4x128xi32>
    %sign3A_33 = arith.cmpi slt, %iota3A_25, %sign3A_32 : vector<4x128xi32>
    %sign3A_34 = arith.extui %sign3A_33 : vector<4x128xi1> to vector<4x128xi32>
    %sign3A_35 = arith.subi %sign3A_30, %sign3A_34 : vector<4x128xi32>
    %sign3A_36 = arith.constant 0 : i32
    %sign3A_37 = arith.cmpi sgt, %jit3A, %sign3A_36 : i32
    %sign3A_38 = arith.extui %sign3A_37 : i1 to i32
    %sign3A_39 = arith.constant 0 : i32
    %sign3A_40 = arith.cmpi slt, %jit3A, %sign3A_39 : i32
    %sign3A_41 = arith.extui %sign3A_40 : i1 to i32
    %sign3A_42 = arith.subi %sign3A_38, %sign3A_41 : i32
    %ne3A = vector.broadcast %sign3A_42 : i32 to vector<4x128xi32>
    %ne3A_43 = arith.cmpi ne, %sign3A_35, %ne3A : vector<4x128xi32>
    %rem3A = vector.broadcast %jit3A : i32 to vector<4x128xi32>
    %rem3A_44 = arith.remsi %iota3A_25, %rem3A : vector<4x128xi32>
    %ne3A_45 = arith.constant 0 : i32
    %ne3A_46 = vector.broadcast %ne3A_45 : i32 to vector<4x128xi32>
    %ne3A_47 = arith.cmpi ne, %rem3A_44, %ne3A_46 : vector<4x128xi32>
    %and3A = arith.andi %ne3A_43, %ne3A_47 : vector<4x128xi1>
    %sub3A = arith.constant 1 : i32
    %sub3A_48 = vector.broadcast %sub3A : i32 to vector<4x128xi32>
    %sub3A_49 = arith.subi %div3A_27, %sub3A_48 : vector<4x128xi32>
    %select_n3A = arith.select %and3A, %sub3A_49, %div3A_27 : vector<4x128xi1>, vector<4x128xi32>
    %eq3A = arith.cmpi eq, %select_n3A, %iota3A : vector<4x128xi32>
    %convert_element_type3A = arith.extui %eq3A : vector<4x128xi1> to vector<4x128xi32>
    %convert_element_type3A_50 = arith.sitofp %convert_element_type3A : vector<4x128xi32> to vector<4x128xf32>
    %dot_general3A = arith.constant dense<0.000000e+00> : vector<1000x128xf32>
    %dot_general3A_51 = tpu.matmul %div3A_24, %convert_element_type3A_50, %dot_general3A {dimension_numbers = #tpu.dot_dimension_numbers<[1], [0], [0], [1], [0, 0, 1, 1], [], []>, transpose_lhs_hint = false} : vector<1000x4xf32>, vector<4x128xf32>, vector<1000x128xf32> -> vector<1000x128xf32>
    %mul3A = arith.mulf %add3A, %dot_general3A_51 : vector<1000x128xf32>
    %get3A_52 = arith.constant 0 : index
    %get3A_53 = arith.constant 0 : index
    %get3A_54 = vector.load %arg3[%get3A_52, %get3A_53] : memref<1x128xf32, #tpu.memory_space<vmem>>, vector<1x128xf32>
    %add3A_55 = vector.broadcast %get3A_54 : vector<1x128xf32> to vector<1000x128xf32>
    %add3A_56 = arith.addf %mul3A, %add3A_55 : vector<1000x128xf32>
    %swap3A = arith.constant 0 : index
    %swap3A_57 = arith.constant 0 : index
    %swap3A_58 = vector.load %arg4[%swap3A, %swap3A_57] : memref<1000x128xf32, #tpu.memory_space<vmem>>, vector<1000x128xf32>
    tpu.vector_store %arg4[%swap3A, %swap3A_57], %add3A_56 {strides = array<i32>} : memref<1000x128xf32, #tpu.memory_space<vmem>>, vector<1000x128xf32>,
    return
  }
  func.func @transform_0(%arg0: i32) -> (i32, i32, i32) {
    %c0_i32 = arith.constant 0 : i32
    %c0_i32_0 = arith.constant 0 : i32
    %c0_i32_1 = arith.constant 0 : i32
    return %c0_i32, %arg0, %c0_i32_0 : i32, i32, i32
  }
  func.func @transform_1(%arg0: i32) -> (i32, i32, i32) {
    %c0_i32 = arith.constant 0 : i32
    %c0_i32_0 = arith.constant 0 : i32
    %c0_i32_1 = arith.constant 0 : i32
    return %c0_i32, %arg0, %c0_i32_0 : i32, i32, i32
  }
  func.func @transform_2(%arg0: i32) -> (i32, i32) {
    %c0_i32 = arith.constant 0 : i32
    %c0_i32_0 = arith.constant 0 : i32
    %c0_i32_1 = arith.constant 0 : i32
    return %c0_i32, %c0_i32_0 : i32, i32
  }
  func.func @transform_3(%arg0: i32) -> (i32, i32) {
    %c0_i32 = arith.constant 0 : i32
    %c0_i32_0 = arith.constant 0 : i32
    return %arg0, %c0_i32 : i32, i32
  }
}

</mosaic_0001>

<sc_bundles>
// kernel: kernel.5.cloned.1.call-start
scs
__scs_entry_jumppad:
0x0: {  	(pc) =	sbr.rel $0x88, $3  }
0x1: {  	(tag) =	ssettag $0x0;
	lr =	simm.s32 $0x1  }
0x2: {  	[smem:$0x3F9C] =	sst lr;
	_ =	strace $0xD0000000  }
0x3: {  	_ = 	snop  }
0x4: {  	_ = 	snop  }
0x5: {  	_ = 	snop  }
0x6: {  	_ = 	snop  }
0x7: {  	_ = 	snop  }
__scs_overlays_trampoline_lowered:
0x8: {  	[smem:$0x3FAB] =	sst s0  }
0x9: {  	[smem:$0x3FAC] =	sst s1  }
0xa: {  	[smem:$0x3FAD] =	sst s2  }
0xb: {  	[smem:$0x3FAE] =	sst s3  }
0xc: {  	[smem:$0x3FAF] =	sst s4  }
0xd: {  	[smem:$0x3FB0] =	sst s5  }
0xe: {  	[smem:$0x3FB1] =	sst s6  }
0xf: {  	[smem:$0x3FB2] =	sst s7  }
0x10: {  	[smem:$0x3FB3] =	sst s8  }
0x11: {  	[smem:$0x3FB4] =	sst s9;
	s0 =	simm.s32 @!p0 $0x0  }
0x12: {  	s1 =	sld [smem:$0x3F9A];
	s0 =	simm.s32 @p0 $0x1  }
0x13: {  	[smem:$0x3FB5] =	sst s0;
	s0 =	simm.s32 @!p1 $0x0  }
0x14: {  	s2 =	sld [smem:$0x3F99];
	s0 =	simm.s32 @p1 $0x1  }
0x15: {  	[smem:$0x3FB6] =	sst s0;
	s0 =	simm.s32 @!p2 $0x0  }
0x16: {  	s3 =	sld [smem:$0x3FDB];
	s0 =	simm.s32 @p2 $0x1  }
0x17: {  	s4 =	simm.s32 $0x1BF5;
	[smem:$0x3FB8] =	sst s0  }
0x18: {  	s0 =	sld [smem:$0x3F9B];
	_ =	swait.ge [sflag:s4], $0x0  }
0x19: {  	s7 =	sld [smem:$0x3F9C]  }
0x1a: {  	s8 =	sadd.s32 $0xFFFFE003, lr  }
0x1b: {  	s9 =	sadd.s32 $0xFFFFFEF7, lr;
	s5 =	simm.s32 $0xFFFFFFFF;
	p2 =	slt.u32 s8, $0xFFFFF086  }
0x1c: {  	p1 =	slt.u32 s9, $0xF7A;
	s5 =	simm.s32 @!p2 $0x0  }
0x1d: {  	s5 =	simm.s32 @p1 $0x1;
	p0 =	seq.s32 s7, s2  }
0x1e: {  	s7 =	smul.u32 @!p0 $0xF7A, s2;
	p2 =	seq.s32 @!p0 s5, $0x0  }
0x1f: {  	s9 =	smul.u32 $0xF7A, s1;
	s8 =	simm.s32 @!p0 $0x1BF5;
	p2 =	por !p2, p0  }
0x20: {  	[sflag:s8] =	ssyncset.s32 @!p0 $0xFFFFF086;
	s6 =	sadd.s32 @!p0 s3, s7;
	s7 =	simm.s32 @!p0 $0x108  }
0x21: {  	s3 =	sadd.s32 s3, s9;
	s6 =	sadd.s32 @!p0 $0x88, s6;
	s7 =	simm.s32 @p2 $0x1082  }
0x22: {  	[simem:s7], [sflag:s8] =	dma.local @!p0 [hbm:s6], $0xF7A  }
0x23: {  	s9 =	sor.u32 $0xD0000000, s2;
	s6 =	simm.s32 $0x108;
	_ =	swait.ge @!p0 [sflag:s8], $0x0  }
0x24: {  	s3 =	sadd.s32 $0x88, s3;
	s6 =	simm.s32 @!p1 $0x1082;
	[sflag:s4] =	ssyncset.s32 $0xFFFFF086  }
0x25: {  	[simem:s6], [sflag:s4] =	dma.local [hbm:s3], $0xF7A  }
0x26: {  	[smem:$0x3F9C] =	sst s1;
	(tag) =	ssettag s2;
	_ =	strace s9  }
0x27: {  	s1 =	sld [smem:$0x3FAC]  }
0x28: {  	s2 =	sld [smem:$0x3FAD]  }
0x29: {  	s4 =	sld [smem:$0x3FAF]  }
0x2a: {  	p0 =	seq.s32 s5, $0x0;
	s5 =	sld [smem:$0x3FB0]  }
0x2b: {  	s6 =	sld [smem:$0x3FB1]  }
0x2c: {  	s7 =	sld [smem:$0x3FB2]  }
0x2d: {  	s3 =	simm.s32 $0x108;
	s8 =	sld [smem:$0x3FB3]  }
0x2e: {  	s3 =	simm.s32 @!p0 $0x1082;
	s9 =	sld [smem:$0x3FB4]  }
0x2f: {  	lr =	sadd.s32 s0, s3;
	s0 =	sld [smem:$0x3FAB]  }
0x30: {  	s3 =	sld [smem:$0x3FAE]  }
0x31: {  	[smem:$0x3FB7] =	sst s10  }
0x32: {  	s10 =	sld [smem:$0x3FB5];
	_ =	sdelay $0x3  }
0x33: {  	p0 =	seq.s32 s10, $0x1;
	s10 =	sld [smem:$0x3FB7];
	_ =	sdelay $0x3  }
0x34: {  	[smem:$0x3FB7] =	sst s10  }
0x35: {  	s10 =	sld [smem:$0x3FB6];
	_ =	sdelay $0x3  }
0x36: {  	p1 =	seq.s32 s10, $0x1;
	s10 =	sld [smem:$0x3FB7];
	_ =	sdelay $0x3  }
0x37: {  	[smem:$0x3FB7] =	sst s10  }
0x38: {  	s10 =	sld [smem:$0x3FB8]  }
0x39: {  	_ = 	snop;
	(pc) =	sbr.ind lr, $3  }
0x3a: {  	_ = 	snop  }
0x3b: {  	_ = 	snop  }
0x3c: {  	p2 =	seq.s32 s10, $0x1;
	s10 =	sld [smem:$0x3FB7]  }
0x3d: {  	_ =	shalt  }
0x3e: {  	_ =	shalt  }
0x3f: {  	_ =	shalt  }
0x40: {  	_ =	shalt  }
0x41: {  	_ =	shalt  }
0x42: {  	_ =	shalt  }
0x43: {  	_ =	shalt  }
0x44: {  	_ =	shalt  }
0x45: {  	_ =	shalt  }
0x46: {  	_ =	shalt  }
0x47: {  	_ =	shalt  }
0x48: {  	_ =	shalt  }
0x49: {  	_ =	shalt  }
0x4a: {  	_ =	shalt  }
0x4b: {  	_ =	shalt  }
0x4c: {  	_ =	shalt  }
0x4d: {  	_ =	shalt  }
0x4e: {  	_ =	shalt  }
0x4f: {  	_ =	shalt  }
0x50: {  	_ =	shalt  }
0x51: {  	_ =	shalt  }
0x52: {  	_ =	shalt  }
0x53: {  	_ =	shalt  }
0x54: {  	_ =	shalt  }
0x55: {  	_ =	shalt  }
0x56: {  	_ =	shalt  }
0x57: {  	_ =	shalt  }
0x58: {  	_ =	shalt  }
0x59: {  	_ =	shalt  }
0x5a: {  	_ =	shalt  }
0x5b: {  	_ =	shalt  }
0x5c: {  	_ =	shalt  }
0x5d: {  	_ =	shalt  }
0x5e: {  	_ =	shalt  }
0x5f: {  	_ =	shalt  }
0x60: {  	_ =	shalt  }
0x61: {  	_ =	shalt  }
0x62: {  	_ =	shalt  }
0x63: {  	_ =	shalt  }
0x64: {  	_ =	shalt  }
0x65: {  	_ =	shalt  }
0x66: {  	_ =	shalt  }
0x67: {  	_ =	shalt  }
0x68: {  	_ =	shalt  }
0x69: {  	_ =	shalt  }
0x6a: {  	_ =	shalt  }
0x6b: {  	_ =	shalt  }
0x6c: {  	_ =	shalt  }
0x6d: {  	_ =	shalt  }
0x6e: {  	_ =	shalt  }
0x6f: {  	_ =	shalt  }
0x70: {  	_ =	shalt  }
0x71: {  	_ =	shalt  }
0x72: {  	_ =	shalt  }
0x73: {  	_ =	shalt  }
0x74: {  	_ =	shalt  }
0x75: {  	_ =	shalt  }
0x76: {  	_ =	shalt  }
0x77: {  	_ =	shalt  }
0x78: {  	_ =	shalt  }
0x79: {  	_ =	shalt  }
0x7a: {  	_ =	shalt  }
0x7b: {  	_ =	shalt  }
0x7c: {  	_ =	shalt  }
0x7d: {  	_ =	shalt  }
0x7e: {  	_ =	shalt  }
0x7f: {  	_ =	shalt  }
0x80: {  	_ =	shalt  }
0x81: {  	_ =	shalt  }
0x82: {  	_ =	shalt  }
0x83: {  	_ =	shalt  }
0x84: {  	_ =	shalt  }
0x85: {  	_ =	shalt  }
0x86: {  	_ =	shalt  }
0x87: {  	_ =	shalt  }
.Lfunc_end0:
.L_simem_size_0:
called_computation_lowered:
.L_overlay_start_0:
0x88: {  	s2 =	sld [smem:$0x3FD9]  }
0x89: {  	s3 =	sld [smem:$0x3FFE];
	_ =	sdelay $0x1  }
0x8a: {  	s1 =	srdreg.scid  }
0x8b: {  	s0 =	sand.u32 $0x1, s1  }
0x8c: {  	s17 =	sshll.u32 s0, $0xA;
	s2 =	sadd.s32 s3, s2  }
0x8d: {  	s2 =	sadd.s32 s2, s17  }
0x8e: {  	[smem:$0x3FC3] =	sst s2  }
0x8f: {  	_ = 	snop  }
0x90: {  	s2 =	sld [smem:$0x3FD0];
	(tm) =	ssettm $0x1  }
0x91: {  	s18 =	sld [smem:$0x3FFB];
	_ =	sdelay $0x3  }
0x92: {  	_ =	strace s18  }
0x93: {  	s3 =	sld [smem:$0x3FFC];
	_ =	sdelay $0x3  }
0x94: {  	_ =	strace s3  }
0x95: {  	s3 =	sld [smem:$0x3FFD];
	_ =	sdelay $0x3  }
0x96: {  	_ =	strace s3  }
0x97: {  	_ =	strace $0x8FFFFFFF  }
0x98: {  	s19 =	sld [smem:$0x3FDB];
	_ =	sdelay $0x1  }
0x99: {  	s4 =	simm.s32 $_scs_section_size  }
0x9a: {  	s5 =	simm.s32 $_size__tile_overlayer_lowered;
	s6 =	simm.s32 $_tile_overlayer_lowered  }
0x9b: {  	s22 =	simm.s32 $0x1BFF;
	s21 =	sshll.u32 s6, $0x1;
	s3 =	sadd.s32 s4, s19  }
0x9c: {  	s7 =	simm.s32 $0x0;
	s20 =	sshll.u32 s5, $0x1;
	s5 =	sadd.s32 s21, s3  }
0x9d: {  	[timem:s7], [sflag:s22] =	dma.local [hbm:s5], s20  }
0x9e: {  	_ =	swait.ge [sflag:s22], s20  }
0x9f: {  	s4 =	ssub.s32 $0x0, s20;
	[sflag:s22] =	ssyncset.done $0x0  }
0xa0: {  	[sflag:s22] =	ssyncadd.s32 s4;
	_ =	sdelay $0x1  }
0xa1: {  	s23 =	simm.s32 $0x1B8B  }
0xa2: {  	_ =	swait.ge [sflag:s23], $0x1  }
0xa3: {  	[sflag:s23] =	ssyncset.done $0x0  }
0xa4: {  	s25 =	simm.s32 $0x1B8E;
	s24 =	sld [smem:$0x3FFE];
	[sflag:s23] =	ssyncadd.s32 $0xFFFFFFFF  }
0xa5: {  	s26 =	simm.s32 $execute0_lowered;
	[smem:$0x3FD2] =	sst s25  }
0xa6: {  	s5 =	sshll.u32 s26, $0x1;
	_ =	strace $0x80000046;
	[dreg:$0x1] =	wrdreg $0xFFFFFFFF  }
0xa7: {  	s28 =	simm.s32 $_size_execute0_lowered;
	s3 =	sadd.s32 s3, s5;
	[dreg:$0x0] =	wrdreg $0x0  }
0xa8: {  	s5 =	sshll.u32 s28, $0x1;
	[dreg:$0x2] =	wrdreg s3  }
0xa9: {  	[dreg:$0x3] =	wrdreg s5  }
0xaa: {  	[dreg:$0x4] =	wrdreg $0xC0  }
0xab: {  	_ =	task [dreg:s7], $0x5FFFF  }
0xac: {  	[dreg:$0x1] =	wrdreg $0xFFFFFFFF  }
0xad: {  	[dreg:$0x0] =	wrdreg $0x60  }
0xae: {  	[dreg:$0x2] =	wrdreg s24  }
0xaf: {  	[dreg:$0x3] =	wrdreg s2  }
0xb0: {  	[dreg:$0x4] =	wrdreg $0x9C100  }
0xb1: {  	[dreg:$0x5] =	wrdreg $0x1D8100  }
0xb2: {  	[dreg:$0x6] =	wrdreg $0x9  }
0xb3: {  	_ =	task.clear_ibuf [dreg:s7], $0x7FFFF;
	_ =	strace $0x90000046  }
0xb4: {  	s29 =	simm.s32 $0x9;
	_ =	strace $0x80000048  }
0xb5: {  	_ =	swait.ge [sflag:s29], $0x1  }
0xb6: {  	[sflag:s29] =	ssyncadd.s32 $0xFFFFFFFF  }
0xb7: {  	_ =	strace $0x90000048  }
0xb8: {  	_ =	sfence  }
0xb9: {  	s30 =	sld [smem:$0x0];
	_ =	sdelay $0x2  }
0xba: {  	s31 =	sshll.u32 s1, $0xD;
	s1 =	sshrl.u32 s1, $0x2  }
0xbb: {  	s3 =	sand.u32 $0x4000, s31;
	s1 =	sadd.s32 s1, s30  }
0xbc: {  	s0 =	sor.u32 s3, s0;
	s1 =	sshll.u32 s1, $0x11  }
0xbd: {  	s0 =	sor.u32 s1, s0  }
0xbe: {  	s0 =	sadd.s32 $0x8F2B, s0  }
0xbf: {  	[sflag:s0] =	ssyncadd.remote.s32 $0x1  }
0xc0: {  	_ =	sfence.sel $0xFFFF  }
0xc1: {  	[dreg:$0x0] =	wrdreg $0xFFFFFFFF;
	(pc) =	sbr.abs _section_cstart, $3  }
0xc2: {  	[dreg:$0x1] =	wrdreg $0xFFFFFFFF  }
0xc3: {  	_ =	task.clear_ibuf [dreg:s7], $0x2FFFF;
	_ =	strace $0x9FFFFFFF  }
0xc4: {  	(tm) =	ssettm $0x7FFFFFFF  }
0xc5: {  	_ =	shalt  }
tec
execute0_lowered:
.L_overlay_start_1:
0x0: {  	(tag) =	ssettag $0x1  }
0x1: {  	s0 =	rddreg [dreg:$0x0]  }
0x2: {  	s1 =	rddreg [dreg:$0x1]  }
0x3: {  	s2 =	rddreg [dreg:$0x2]  }
0x4: {  	s4 =	rddreg [dreg:$0x3]  }
0x5: {  	s17 =	simm.s32 $0x0;
	s3 =	srdreg.scid;
	s16 =	stileid.u32  }
0x6: {  	s29 =	simm.s32 $0x1300;
	s31 =	simm.s32 $0x1;
	s5 =	smul.u32 $0x13C00, s16  }
0x7: {  	[smem:$0x7FF] =	sst s17;
	s3 =	sand.u32 $0x1, s3;
	s10 =	smul.u32 $0x2780, s16  }
0x8: {  	s6 =	sadd.s32 $0x14A00, s0;
	s7 =	sadd.s32 $0xA800, s0;
	s15 =	smul.u32 $0x278, s16  }
0x9: {  	s8 =	sadd.s32 $0x800, s0;
	s13 =	sadd.s32 $0x1EE00, s0;
	s9 =	smul.u32 $0x13C000, s3  }
0xa: {  	s30 =	sshll.u32 s16, $0x1;
	_ =	strace $0x80000047;
	s12 =	smul.u32 $0x27800, s3  }
0xb: {  	[dreg:$0x6] =	wrdreg s13;
	s28 =	ssub.s32 $0x2, s3;
	s3 =	sor.u32 s3, s30  }
0xc: {  	s14 =	sshrl.u32 s28, $0x1;
	s13 =	sadd.s32 $0x80, s15;
	s16 =	sadd.s32 s10, s4  }
0xd: {  	s19 =	sadd.s32 $0x100, s15;
	s21 =	sadd.s32 $0x180, s15;
	s24 =	sadd.s32 $0x200, s15  }
0xe: {  	s15 =	simm.s32 $0x0;
	s11 =	sadd.s32 s5, s9;
	s9 =	sadd.s32 $0x5800, s0  }
0xf: {  	s12 =	sadd.s32 s10, s12;
	s18 =	sshll.u32 s13, $0x7;
	s20 =	sshll.u32 s19, $0x7  }
0x10: {  	[dreg:$0x8] =	wrdreg s16;
	s11 =	sshrl.u32 s11, $0x3;
	s12 =	sshrl.u32 s12, $0x3  }
0x11: {  	s10 =	sadd.s32 s18, s2;
	s11 =	sadd.s32 s11, s0;
	s0 =	sadd.s32 s12, s0  }
0x12: {  	s12 =	ssub.s32 s28, s14;
	[dreg:$0x9] =	wrdreg s10;
	s10 =	sadd.s32 s20, s2  }
0x13: {  	s14 =	sadd.s32 s5, s2;
	s5 =	sshll.u32 s13, $0x4;
	[dreg:$0xb] =	wrdreg s10  }
0x14: {  	s22 =	sshll.u32 s21, $0x7;
	s5 =	sadd.s32 s5, s4;
	[dreg:$0x7] =	wrdreg s14  }
0x15: {  	s23 =	sshll.u32 s21, $0x4;
	s28 =	sadd.s32 $0x28E00, s11;
	[dreg:$0xa] =	wrdreg s5  }
0x16: {  	s25 =	sshll.u32 s24, $0x7;
	s0 =	sadd.s32 $0x1F000, s0;
	[dreg:$0x11] =	wrdreg s28  }
0x17: {  	s10 =	sshll.u32 s24, $0x4;
	s30 =	smax.u32 s12, $0x1;
	[dreg:$0x12] =	wrdreg s0  }
0x18: {  	s5 =	sshll.u32 s19, $0x4;
	s26 =	sadd.s32 s10, s4;
	[dreg:$0x13] =	wrdreg s30  }
0x19: {  	s21 =	smul.u32 $0x51, s3;
	s5 =	sadd.s32 s5, s4;
	[dreg:$0x10] =	wrdreg s26  }
0x1a: {  	s3 =	simm.s32 $0xB00;
	[dreg:$0xc] =	wrdreg s5;
	s5 =	sadd.s32 s22, s2  }
0x1b: {  	s0 =	simm.s32 $0x80;
	[dreg:$0xd] =	wrdreg s5;
	s5 =	sadd.s32 s23, s4  }
0x1c: {  	s10 =	simm.s32 $0x2;
	[dreg:$0xe] =	wrdreg s5;
	s5 =	sadd.s32 s25, s2  }
0x1d: {  	v0 =	vimm.f32 $0.0e+00;
	vm0 =	vmmov $0xf;
	s26 =	simm.s32 $0x7;
	s25 =	simm.s32 $0x300;
	[dreg:$0xf] =	wrdreg s5  }
.LBB2_1:
0x1e: {  	s5 =	simm.s32 $0x1B40  }
0x1f: {  	[tilespmem:s5+$0xFFFFFFD0] =	vst v0  }
0x20: {  	[tilespmem:s5+$0xFFFFFFE0] =	vst v0  }
0x21: {  	[tilespmem:s5+$0xFFFFFFF0] =	vst v0  }
0x22: {  	[tilespmem:s5+$0x0] =	vst v0  }
0x23: {  	[tilespmem:s5+$0x10] =	vst v0  }
0x24: {  	[tilespmem:s5+$0x20] =	vst v0  }
0x25: {  	[tilespmem:s5+$0x30] =	vst v0  }
0x26: {  	[dreg:$0x5] =	wrdreg s17;
	s12 =	simm.s32 $0x0;
	s11 =	simm.s32 $0x40;
	[tilespmem:s5+$0xFFFFFFC0] =	vst v0  }
.LBB2_2:
0x27: {  	p0 =	sne.s32 s11, $0x1FC0;
	[tilespmem:s12+$0x1300] =	vst v0;
	s5 =	sadd.s32 $0x80, s5  }
0x28: {  	[tilespmem:s5+$0xFFFFFFD0] =	vst v0  }
0x29: {  	[tilespmem:s5+$0xFFFFFFE0] =	vst v0  }
0x2a: {  	[tilespmem:s5+$0xFFFFFFF0] =	vst v0  }
.Ltmp0:
0x2b: {  	[tilespmem:s5+$0x0] =	vst v0;
	(pc) =	sbr.rel @p0 .LBB2_2-.Ltmp0, $4  }
0x2c: {  	[tilespmem:s5+$0x10] =	vst v0  }
0x2d: {  	[tilespmem:s5+$0x20] =	vst v0  }
0x2e: {  	[tilespmem:s5+$0x30] =	vst v0  }
0x2f: {  	s12 =	sshra.s32 s11, $0x2;
	s11 =	sadd.s32 $0x40, s11;
	[tilespmem:s5+$0xFFFFFFC0] =	vst v0  }
0x30: {  	[tilespmem:s12+$0x1300] =	vst v0;
	s5 =	rddreg [dreg:$0x6];
	s11 =	simm.s32 $0x9C00  }
0x31: {  	[tilespmem:s11], [sflag:$0x7] =	stream.linear.gather [hbm4b:s5+s15], $0x10, $0x38;
	[tilespmem:$0x1FF90] =	vst v63  }
0x32: {  	_ =	swait.ge [sflag:s26], $0x10  }
0x33: {  	[sflag:s26] =	ssyncset.done $0x0  }
0x34: {  	s17 =	simm.s32 $0x1B00;
	[sflag:s26] =	ssyncadd.s32 $0xFFFFFFF0  }
0x35: {  	[spmem:s14] =	stream.linear.scatter [tilespmem:s17], [sflag:$0x7], $0x4000, $0x38;
	[tilespmem:$0x1FF90] =	vst v63  }
0x36: {  	_ =	swait.ge [sflag:s26], $0x4000  }
0x37: {  	[sflag:s26] =	ssyncset.done $0x0  }
0x38: {  	[sflag:s26] =	ssyncadd.s32 $0xFFFFC000  }
0x39: {  	[spmem:s16] =	stream.linear.scatter [tilespmem:s29], [sflag:$0x7], $0x800, $0x38;
	[tilespmem:$0x1FF90] =	vst v63  }
0x3a: {  	_ =	swait.ge [sflag:s26], $0x800  }
0x3b: {  	[sflag:s26] =	ssyncset.done $0x0  }
0x3c: {  	s18 =	rddreg [dreg:$0x9];
	[sflag:s26] =	ssyncadd.s32 $0xFFFFF800  }
0x3d: {  	[spmem:s18] =	stream.linear.scatter [tilespmem:s17], [sflag:$0x7], $0x4000, $0x38;
	[tilespmem:$0x1FF90] =	vst v63  }
0x3e: {  	_ =	swait.ge [sflag:s26], $0x4000  }
0x3f: {  	[sflag:s26] =	ssyncset.done $0x0  }
0x40: {  	s19 =	rddreg [dreg:$0xa];
	[sflag:s26] =	ssyncadd.s32 $0xFFFFC000  }
0x41: {  	[spmem:s19] =	stream.linear.scatter [tilespmem:s29], [sflag:$0x7], $0x800, $0x38;
	[tilespmem:$0x1FF90] =	vst v63  }
0x42: {  	_ =	swait.ge [sflag:s26], $0x800  }
0x43: {  	[sflag:s26] =	ssyncset.done $0x0  }
0x44: {  	s20 =	rddreg [dreg:$0xb];
	[sflag:s26] =	ssyncadd.s32 $0xFFFFF800  }
0x45: {  	[spmem:s20] =	stream.linear.scatter [tilespmem:s17], [sflag:$0x7], $0x4000, $0x38;
	[tilespmem:$0x1FF90] =	vst v63  }
0x46: {  	_ =	swait.ge [sflag:s26], $0x4000  }
0x47: {  	[sflag:s26] =	ssyncset.done $0x0  }
0x48: {  	s22 =	rddreg [dreg:$0xc];
	[sflag:s26] =	ssyncadd.s32 $0xFFFFC000  }
0x49: {  	[spmem:s22] =	stream.linear.scatter [tilespmem:s29], [sflag:$0x7], $0x800, $0x38;
	[tilespmem:$0x1FF90] =	vst v63  }
0x4a: {  	_ =	swait.ge [sflag:s26], $0x800  }
0x4b: {  	[sflag:s26] =	ssyncset.done $0x0  }
0x4c: {  	s23 =	rddreg [dreg:$0xd];
	[sflag:s26] =	ssyncadd.s32 $0xFFFFF800  }
0x4d: {  	[spmem:s23] =	stream.linear.scatter [tilespmem:s17], [sflag:$0x7], $0x4000, $0x38;
	[tilespmem:$0x1FF90] =	vst v63  }
0x4e: {  	_ =	swait.ge [sflag:s26], $0x4000  }
0x4f: {  	[sflag:s26] =	ssyncset.done $0x0  }
0x50: {  	s24 =	rddreg [dreg:$0xe];
	[sflag:s26] =	ssyncadd.s32 $0xFFFFC000  }
0x51: {  	[spmem:s24] =	stream.linear.scatter [tilespmem:s29], [sflag:$0x7], $0x800, $0x38;
	[tilespmem:$0x1FF90] =	vst v63  }
0x52: {  	_ =	swait.ge [sflag:s26], $0x800  }
0x53: {  	[sflag:s26] =	ssyncset.done $0x0  }
0x54: {  	s28 =	rddreg [dreg:$0xf];
	[sflag:s26] =	ssyncadd.s32 $0xFFFFF800  }
0x55: {  	[spmem:s28] =	stream.linear.scatter [tilespmem:s17], [sflag:$0x7], $0x3C00, $0x38;
	[tilespmem:$0x1FF90] =	vst v63  }
0x56: {  	_ =	swait.ge [sflag:s26], $0x3C00  }
0x57: {  	[sflag:s26] =	ssyncset.done $0x0  }
0x58: {  	s30 =	rddreg [dreg:$0x10];
	[sflag:s26] =	ssyncadd.s32 $0xFFFFC400  }
0x59: {  	[spmem:s30] =	stream.linear.scatter [tilespmem:s29], [sflag:$0x7], $0x780, $0x38;
	[tilespmem:$0x1FF90] =	vst v63  }
0x5a: {  	_ =	swait.ge [sflag:s26], $0x780  }
0x5b: {  	[sflag:s26] =	ssyncset.done $0x0  }
0x5c: {  	[sflag:s26] =	ssyncadd.s32 $0xFFFFF880  }
0x5d: {  	[bflag:$0x0] =	sbarrier.arrive $0xFFFF  }
0x5e: {  	v1 =	vld [tilespmem:$0x9C00];
	_ =	sdelay $0x2  }
0x5f: {  	p0 =	por $0x0, $0x0;
	s16 =	simm.s32 $0x0  }
.LBB2_4:
0x60: {  	s17 =	smul.u32 $0x3, s16;
	_ =	sdelay $0x1  }
0x61: {  	s5 =	sadd.s32 s21, s17  }
0x62: {  	s5 =	sshll.u32 s5, $0x4  }
0x63: {  	s11 =	sadd.s32 s6, s5  }
0x64: {  	[tilespmem:s15], [sflag:$0x7] =	stream.linear.gather [hbm4b:s11+s15], $0x180, $0x38;
	[tilespmem:$0x1FF90] =	vst v63  }
0x65: {  	_ =	swait.ge [sflag:s26], $0x180  }
0x66: {  	[sflag:s26] =	ssyncset.done $0x0  }
0x67: {  	s30 =	simm.s32 $0x180;
	s5 =	sadd.s32 s7, s5;
	[sflag:s26] =	ssyncadd.s32 $0xFFFFFE80  }
0x68: {  	[tilespmem:s30], [sflag:$0x7] =	stream.linear.gather [hbm4b:s5+s15], $0x180, $0x38;
	[tilespmem:$0x1FF90] =	vst v63  }
0x69: {  	_ =	swait.ge [sflag:s26], $0x180  }
0x6a: {  	[sflag:s26] =	ssyncset.done $0x0  }
0x6b: {  	p1 =	por p0, p0;
	s18 =	simm.s32 $0x0;
	[sflag:s26] =	ssyncadd.s32 $0xFFFFFE80  }
.LBB2_5:
0x6c: {  	s5 =	sadd.s32 s17, s18  }
0x6d: {  	s19 =	sand.u32 $0x1, s5;
	p2 =	slt.u32 s5, $0x2  }
0x6e: {  	s5 =	sadd.s32 @!p2 $0x5, s19  }
0x6f: {  	_ =	swait.ge @!p2 [sflag:s5], $0x4000  }
0x70: {  	[sflag:s5] =	ssyncset.done @!p2 $0x0  }
0x71: {  	s20 =	sshll.u32 s18, $0x7;
	[sflag:s5] =	ssyncadd.s32 @!p2 $0xFFFFC000  }
0x72: {  	[tilespmem:s25], [sflag:$0x1] =	stream.indirect.gather [hbm4b:s8+s0], $0x10, s20, s0, $0xb8;
	[tilespmem:$0x1FF90] =	vst v63  }
0x73: {  	s22 =	sadd.s32 $0x180, s20;
	s30 =	sshll.u32 s19, $0xE  }
0x74: {  	[tilespmem:s3], [sflag:$0x2] =	stream.indirect.gather [hbm4b:s9+s0], $0x10, s22, s0, $0xb8;
	[tilespmem:$0x1FF90] =	vst v63  }
0x75: {  	s13 =	sadd.s32 $0x3, s19;
	s23 =	sor.u32 $0x1B00, s30  }
0x76: {  	[tilespmem:s23], [sflag:s13] =	stream.indirect.gather [hbm4b:s1+s0], $0x80, s20, s0, $0xb8;
	[tilespmem:$0x1FF90] =	vst v63  }
0x77: {  	_ =	swait.ge [sflag:s31], $0x800  }
0x78: {  	[sflag:s31] =	ssyncset.done $0x0  }
0x79: {  	[sflag:s31] =	ssyncadd.s32 $0xFFFFF800  }
0x7a: {  	_ =	swait.ge [sflag:s10], $0x800  }
0x7b: {  	[sflag:s10] =	ssyncset.done $0x0  }
0x7c: {  	s14 =	simm.s32 $0x0;
	[sflag:s10] =	ssyncadd.s32 $0xFFFFF800  }
0x7d: {  	v2 =	vld [tilespmem:s14+$0x300]  }
0x7e: {  	v3 =	vld [tilespmem:s14+$0xB00]  }
0x7f: {  	s11 =	simm.s32 $0x10  }
0x80: {  	v4 =	vld [tilespmem:s11+$0x300]  }
0x81: {  	v5 =	vld [tilespmem:s11+$0xB00];
	_ =	sdelay $0x1  }
0x82: {  	v2 =	vadd.f32 v3, v2;
	v3 =	vadd.f32 v3, v1;
	_ =	sdelay $0x1  }
0x83: {  	v7 =	vmul.f32 $2.000000030e-01, v2;
	v8 =	vmul.f32 $2.000000030e-01, v3  }
0x84: {  	v4 =	vadd.f32 v5, v4  }
0x85: {  	s12 =	simm.s32 $0x20;
	v5 =	vadd.f32 v5, v1;
	v2 =	vmax.f32 v2, v7;
	v3 =	vmax.f32 v3, v8  }
0x86: {  	v6 =	vld [tilespmem:s12+$0x300];
	v2 =	vsub.f32 v2, v3  }
0x87: {  	v9 =	vld [tilespmem:s12+$0xB00];
	v10 =	vmul.f32 $2.000000030e-01, v4;
	v11 =	vmul.f32 $2.000000030e-01, v5  }
0x88: {  	v2 =	vmul.f32 $1.442695020e+00, v2  }
0x89: {  	v4 =	vmax.f32 v4, v10;
	v5 =	vmax.f32 v5, v11  }
0x8a: {  	v3 =	vsub.f32 v4, v5;
	(erf) = vpow2.f32 v2;
	_ =	sdelay $0x1  }
0x8b: {  	s28 =	simm.s32 $0x30;
	v4 =	vadd.f32 v9, v6;
	v6 =	vmul.f32 $1.442695020e+00, v3  }
0x8c: {  	v5 =	vadd.f32 v9, v1;
	v3 =	vld [tilespmem:s28+$0xB00]  }
0x8d: {  	s5 =	simm.s32 $0x1;
	v2 =	vld [tilespmem:s28+$0x300];
	(erf) = vpow2.f32 v6  }
0x8e: {  	s5 =	simm.s32 @!p1 $0x0;
	v7 =	vmul.f32 $2.000000030e-01, v4;
	v63 =	vmul.f32 $2.000000030e-01, v5  }
0x8f: {  	s5 =	sshll.u32 s5, $0xE  }
0x90: {  	s24 =	sor.u32 $0x1B40, s5;
	s5 =	simm.s32 $0x100;
	v4 =	vmax.f32 v4, v7;
	v5 =	vmax.f32 v5, v63  }
.LBB2_6:
0x91: {  	s30 =	sshra.s32 s5, $0x2;
	v4 =	vsub.f32 v4, v5;
	p2 =	sne.s32 s5, $0x1FC0  }
.Ltmp1:
0x92: {  	s5 =	sadd.s32 $0x40, s5;
	v5 =	vadd.f32 v3, v2;
	v2 =	vld [tilespmem:s30+$0x300];
	v6 =	vadd.f32 v3, v1;
	v7 =	vpop (erf);
	(pc) =	sbr.rel @p2 .LBB2_6-.Ltmp1, $4  }
0x93: {  	v3 =	vld [tilespmem:s30+$0xB00];
	v4 =	vmul.f32 $1.442695020e+00, v4;
	v7 =	vnsel vm0, $0x0, v7  }
0x94: {  	v8 =	vmul.f32 $2.000000030e-01, v5;
	v9 =	vmul.f32 $2.000000030e-01, v6;
	[tilespmem:s14+$0x1300] =	vst v7;
	s14 =	smov.u32 s11;
	s11 =	smov.u32 s12;
	s12 =	smov.u32 s28  }
0x95: {  	s28 =	smov.u32 s30;
	(erf) = vpow2.f32 v4  }
0x96: {  	v4 =	vmax.f32 v5, v8;
	v5 =	vmax.f32 v6, v9  }
0x97: {  	_ = 	snop  }
0x98: {  	v2 =	vadd.f32 v3, v2;
	v3 =	vadd.f32 v3, v1;
	_ =	sdelay $0x1  }
0x99: {  	v6 =	vmul.f32 $2.000000030e-01, v2;
	v7 =	vmul.f32 $2.000000030e-01, v3;
	_ =	sdelay $0x1  }
0x9a: {  	v4 =	vsub.f32 v4, v5;
	v2 =	vmax.f32 v2, v6;
	v3 =	vmax.f32 v3, v7  }
0x9b: {  	v2 =	vsub.f32 v2, v3  }
0x9c: {  	v3 =	vmul.f32 $1.442695020e+00, v4  }
0x9d: {  	v2 =	vmul.f32 $1.442695020e+00, v2  }
0x9e: {  	(erf) = vpow2.f32 v3  }
0x9f: {  	(erf) = vpow2.f32 v2;
	_ =	sdelay $0x5  }
0xa0: {  	v2 =	vpop (erf)  }
0xa1: {  	v3 =	vpop (erf);
	v2 =	vnsel vm0, $0x0, v2  }
0xa2: {  	[tilespmem:s14+$0x1300] =	vst v2;
	v2 =	vnsel vm0, $0x0, v3;
	v3 =	vpop (erf)  }
0xa3: {  	[tilespmem:s11+$0x1300] =	vst v2;
	v2 =	vnsel vm0, $0x0, v3;
	v3 =	vpop (erf)  }
0xa4: {  	[tilespmem:s12+$0x1300] =	vst v2;
	v2 =	vnsel vm0, $0x0, v3  }
0xa5: {  	[tilespmem:s28+$0x1300] =	vst v2  }
0xa6: {  	_ =	swait.ge [sflag:s13], $0x4000  }
0xa7: {  	[sflag:s13] =	ssyncset.done $0x0  }
0xa8: {  	[sflag:s13] =	ssyncadd.s32 $0xFFFFC000  }
0xa9: {  	s5 =	simm.s32 $0x0;
	v9 =	vld [tilespmem:s24+$0xFFFFFFD0]  }
0xaa: {  	v4 =	vld [tilespmem:s5+$0x1300]  }
0xab: {  	v7 =	vld [tilespmem:s24+$0x20]  }
0xac: {  	v10 =	vld [tilespmem:s24+$0xFFFFFFC0]  }
0xad: {  	v13 =	vld [tilespmem:s24+$0xFFFFFFE0]  }
0xae: {  	v2 =	vld [tilespmem:s24+$0xFFFFFFF0]  }
0xaf: {  	v3 =	vld [tilespmem:s24+$0x30];
	v11 =	vbroadcast v4, $0x0;
	v8 =	vbroadcast v4, $0x3  }
0xb0: {  	v5 =	vld [tilespmem:s24+$0x0];
	v6 =	vbroadcast v4, $0x1  }
0xb1: {  	v12 =	vmul.f32 v11, v10;
	v10 =	vmul.f32 v7, v8;
	v7 =	vld [tilespmem:s24+$0x10]  }
0xb2: {  	v4 =	vbroadcast v4, $0x2  }
0xb3: {  	s11 =	simm.s32 $0x40;
	s12 =	smov.u32 s24;
	v11 =	vmul.f32 v9, v11;
	v9 =	vmul.f32 v13, v6  }
.LBB2_8:
0xb4: {  	p2 =	sne.s32 s11, $0x1FC0  }
0xb5: {  	[tilespmem:s24+$0xFFFFFFC0] =	vst v12;
	v5 =	vmul.f32 v5, v4;
	v3 =	vmul.f32 v3, v8;
	s12 =	sadd.s32 $0x80, s12;
	s5 =	smov.u32 s11;
	s11 =	sadd.s32 $0x40, s11  }
0xb6: {  	v6 =	vmul.f32 v2, v6;
	v4 =	vmul.f32 v7, v4;
	[tilespmem:s24+$0x20] =	vst v10  }
0xb7: {  	[tilespmem:s24+$0xFFFFFFD0] =	vst v11  }
0xb8: {  	[tilespmem:s24+$0xFFFFFFE0] =	vst v9  }
0xb9: {  	[tilespmem:s24+$0x30] =	vst v3  }
0xba: {  	v2 =	vld [tilespmem:s12+$0xFFFFFFF0];
	[tilespmem:s24+$0x10] =	vst v4  }
0xbb: {  	v9 =	vld [tilespmem:s12+$0xFFFFFFD0];
	[tilespmem:s24+$0xFFFFFFF0] =	vst v6  }
0xbc: {  	s5 =	sshra.s32 s5, $0x2;
	v10 =	vld [tilespmem:s12+$0x20];
	[tilespmem:s24+$0x0] =	vst v5;
	s24 =	smov.u32 s12  }
0xbd: {  	v4 =	vld [tilespmem:s5+$0x1300]  }
0xbe: {  	v3 =	vld [tilespmem:s12+$0x30]  }
0xbf: {  	v11 =	vld [tilespmem:s12+$0xFFFFFFC0]  }
0xc0: {  	v13 =	vld [tilespmem:s12+$0xFFFFFFE0]  }
.Ltmp2:
0xc1: {  	v5 =	vld [tilespmem:s12+$0x0];
	(pc) =	sbr.rel @p2 .LBB2_8-.Ltmp2, $4  }
0xc2: {  	v14 =	vbroadcast v4, $0x0;
	v7 =	vld [tilespmem:s12+$0x10];
	v8 =	vbroadcast v4, $0x3  }
0xc3: {  	v6 =	vbroadcast v4, $0x1;
	v4 =	vbroadcast v4, $0x2  }
0xc4: {  	v12 =	vmul.f32 v14, v11;
	v10 =	vmul.f32 v10, v8  }
0xc5: {  	v11 =	vmul.f32 v9, v14;
	v9 =	vmul.f32 v13, v6  }
0xc6: {  	[tilespmem:s24+$0xFFFFFFC0] =	vst v12  }
0xc7: {  	[tilespmem:s24+$0x20] =	vst v10  }
0xc8: {  	v3 =	vmul.f32 v3, v8;
	[tilespmem:s24+$0xFFFFFFD0] =	vst v11  }
0xc9: {  	v2 =	vmul.f32 v2, v6;
	[tilespmem:s24+$0xFFFFFFE0] =	vst v9  }
0xca: {  	v7 =	vmul.f32 v7, v4;
	[tilespmem:s24+$0x30] =	vst v3  }
0xcb: {  	v3 =	vmul.f32 v5, v4;
	[tilespmem:s24+$0xFFFFFFF0] =	vst v2  }
0xcc: {  	[tilespmem:s24+$0x10] =	vst v7  }
0xcd: {  	[tilespmem:s24+$0x0] =	vst v3  }
0xce: {  	v2 =	vld [tilespmem:s20+$0x180];
	_ =	sdelay $0x3  }
0xcf: {  	s5 =	sshll.u32 s19, $0x7  }
0xd0: {  	[tilespmem:s5+$0x9B00] =	vst v2  }
0xd1: {  	v2 =	vld [tilespmem:s20+$0x190];
	_ =	sdelay $0x4  }
0xd2: {  	[tilespmem:s5+$0x9B10] =	vst v2  }
0xd3: {  	v2 =	vld [tilespmem:s20+$0x1A0];
	_ =	sdelay $0x4  }
0xd4: {  	[tilespmem:s5+$0x9B20] =	vst v2  }
0xd5: {  	v2 =	vld [tilespmem:s20+$0x1B0];
	_ =	sdelay $0x4  }
0xd6: {  	[tilespmem:s5+$0x9B30] =	vst v2  }
0xd7: {  	v2 =	vld [tilespmem:s20+$0x1C0];
	_ =	sdelay $0x4  }
0xd8: {  	[tilespmem:s5+$0x9B40] =	vst v2  }
0xd9: {  	v2 =	vld [tilespmem:s20+$0x1D0];
	_ =	sdelay $0x4  }
0xda: {  	[tilespmem:s5+$0x9B50] =	vst v2  }
0xdb: {  	v2 =	vld [tilespmem:s20+$0x1E0];
	_ =	sdelay $0x4  }
0xdc: {  	[tilespmem:s5+$0x9B60] =	vst v2  }
0xdd: {  	v2 =	vld [tilespmem:s20+$0x1F0];
	_ =	sdelay $0x3  }
0xde: {  	s18 =	sadd.s32 $0x1, s18  }
0xdf: {  	p2 =	sne.s32 s18, $0x3;
	[tilespmem:s5+$0x9B70] =	vst v2  }
0xe0: {  	[spmem:s4] =	stream.indirect.scatter.add.f32 [tilespmem:s29], [sflag:$0x2], $0x10, s22, s0, $0xb8;
	[tilespmem:$0x1FF90] =	vst v63  }
.Ltmp3:
0xe1: {  	s11 =	sadd.s32 $0x5, s19;
	s5 =	sor.u32 $0x9B00, s5;
	(pc) =	sbr.rel @p2 .LBB2_5-.Ltmp3, $4  }
0xe2: {  	[spmem:s2] =	stream.indirect.scatter.add.f32 [tilespmem:s23], [sflag:s11], $0x80, s5, s0, $0xb8;
	[tilespmem:$0x1FF90] =	vst v63  }
0xe3: {  	_ =	swait.ge [sflag:s10], $0x800  }
0xe4: {  	[sflag:s10] =	ssyncset.done $0x0  }
0xe5: {  	p1 =	por !p1, !p1;
	[sflag:s10] =	ssyncadd.s32 $0xFFFFF800  }
0xe6: {  	s16 =	sadd.s32 $0x1, s16  }
0xe7: {  	p1 =	sne.s32 s16, $0x1B  }
.Ltmp4:
0xe8: {  	_ = 	snop;
	(pc) =	sbr.rel @p1 .LBB2_4-.Ltmp4, $2  }
0xe9: {  	_ =	sdelay $0x2  }
0xea: {  	p0 =	por !p0, !p0  }
0xeb: {  	s5 =	simm.s32 $0x5  }
0xec: {  	_ =	swait.ge [sflag:s5], $0x4000  }
0xed: {  	[sflag:s5] =	ssyncset.done $0x0  }
0xee: {  	s22 =	simm.s32 $0x6;
	[sflag:s5] =	ssyncadd.s32 $0xFFFFC000  }
0xef: {  	_ =	swait.ge [sflag:s22], $0x4000  }
0xf0: {  	[sflag:s22] =	ssyncset.done $0x0  }
0xf1: {  	[sflag:s22] =	ssyncadd.s32 $0xFFFFC000  }
0xf2: {  	s23 =	stileid.u32;
	[bflag:$0x0] =	sbarrier.arrive $0xFFFF  }
0xf3: {  	s5 =	sshll.u32 s23, $0x6;
	s14 =	rddreg [dreg:$0x7]  }
0xf4: {  	s5 =	sor.u32 $0x1C07, s5;
	s12 =	rddreg [dreg:$0x11];
	s11 =	sshrl.u32 s14, $0x3  }
0xf5: {  	[hbm:s12], [sflag:s5] =	dma.local [spmem:s11], $0x2780  }
0xf6: {  	_ =	swait.ge [sflag:s26], $0x2780  }
0xf7: {  	[sflag:s26] =	ssyncset.done $0x0;
	s16 =	rddreg [dreg:$0x8]  }
0xf8: {  	s28 =	rddreg [dreg:$0x12];
	[sflag:s26] =	ssyncadd.s32 $0xFFFFD880;
	s24 =	sshrl.u32 s16, $0x3  }
0xf9: {  	[hbm:s28], [sflag:s5] =	dma.local [spmem:s24], $0x4F0  }
0xfa: {  	_ =	swait.ge [sflag:s26], $0x4F0  }
0xfb: {  	s17 =	rddreg [dreg:$0x5]  }
0xfc: {  	s30 =	rddreg [dreg:$0x13];
	s17 =	sadd.s32 $0x1, s17  }
0xfd: {  	p0 =	sne.s32 s17, s30  }
.Ltmp5:
0xfe: {  	_ = 	snop;
	(pc) =	sbr.rel @p0 .LBB2_1-.Ltmp5, $3  }
0xff: {  	_ =	sdelay $0x1  }
0x100: {  	[sflag:s26] =	ssyncset.done $0x0  }
0x101: {  	[sflag:s26] =	ssyncadd.s32 $0xFFFFFB10  }
0x102: {  	_ =	sfence.sel $0x180000  }
0x103: {  	[bflag:$0x0] =	sbarrier.arrive $0xFFFF  }
0x104: {  	_ =	strace $0x90000047  }
0x105: {  	s0 =	stileid.u32;
	[bflag:$0x2] =	sbarrier.arrive $0xFFFF  }
0x106: {  	p0 =	sne.s32 s0, $0x0;
	s0 =	rddreg [dreg:$0x4]  }
0x107: {  	s0 =	sadd.s32 @!p0 $0x100000, s0  }
0x108: {  	[sflag:s0] =	ssyncadd.tile.s32 @!p0 $0x1;
	_ =	shalt  }
.Lfunc_end2:
_tile_overlayer_lowered:
.L_overlay_start_2:
0x109: {  	(tag) =	ssettag $0x2  }
0x10a: {  	s0 =	rddreg [dreg:$0x0];
	s2 =	stileid.u32  }
0x10b: {  	s1 =	rddreg [dreg:$0x1];
	p0 =	sne.s32 s2, $0x0  }
0x10c: {  	s3 =	rddreg [dreg:$0x2];
	[bflag:$0x3] =	sbarrier.arrive $0xFFFF;
	s2 =	simm.s32 @!p0 $0x1C07  }
0x10d: {  	[timem:s3], [sflag:s2] =	dma.local @!p0 [hbm:s0], s1  }
0x10e: {  	s0 =	simm.s32 @!p0 $0x7  }
0x10f: {  	_ =	swait.ge @!p0 [sflag:s0], s1  }
0x110: {  	s1 =	ssub.s32 @!p0 $0x0, s1;
	[sflag:s0] =	ssyncset.done @!p0 $0x0  }
0x111: {  	[sflag:s0] =	ssyncadd.s32 @!p0 s1  }
0x112: {  	[bflag:$0x3] =	sbarrier.arrive $0xFFFF  }
0x113: {  	_ =	shalt  }

</sc_bundles>
